<compile_context>
chip_gen: v7x
topology: tpu7x:2x2x1
jax: 0.10.2.dev20260603
libtpu: 0.0.44.dev20260713+nightly
codegen_flags: <defaults>
</compile_context>

<pallas_src>
import functools

import jax
import jax.numpy as jnp
from jax import lax
from jax.experimental import pallas as pl
from jax.experimental.pallas import tpu as pltpu
from jax.experimental.pallas import tpu_sc as plsc

N = 10000
E = 320000
D = 128

NC = 2
NS = 16
NW = NC * NS
EPW = E // NW
CHUNK = 128
NFULL = EPW // CHUNK
TAIL = EPW - NFULL * CHUNK
BLK = 200
NBLK = N // BLK
DEGW = 16

_mesh = plsc.VectorSubcoreMesh(core_axis_name="c", subcore_axis_name="s")


def _blocked_copy(sid, make_src, make_dst):
    @pl.loop(0, NBLK)
    def _(j):
        @pl.when(j % NS == sid)
        def _():
            pltpu.sync_copy(make_src(pl.ds(j * BLK, BLK)),
                            make_dst(pl.ds(j * BLK, BLK)))



@functools.partial(
    pl.kernel,
    out_type=jax.ShapeDtypeStruct((NC, N, DEGW), jnp.float32),
    mesh=_mesh,
    scratch_types=[
        pltpu.VMEM((CHUNK,), jnp.int32),
        pltpu.VMEM((TAIL,), jnp.int32),
        pltpu.VMEM((CHUNK, DEGW), jnp.float32),
        pltpu.VMEM((BLK, DEGW), jnp.float32),
        pltpu.VMEM_SHARED((N, DEGW), jnp.float32),
    ],
)
def _degree_kernel(dst_hbm, out_hbm, idx_v, idxt_v, ones_v, z_v, acc):
    cid = lax.axis_index("c")
    sid = lax.axis_index("s")

    one16 = jnp.full((16,), 1.0, jnp.float32)
    zero16 = jnp.zeros((16,), jnp.float32)

    @pl.loop(0, CHUNK)
    def _(i):
        ones_v[i, :] = one16

    @pl.loop(0, BLK)
    def _(i):
        z_v[i, :] = zero16

    @pl.loop(0, NBLK)
    def _(j):
        @pl.when(j % NS == sid)
        def _():
            pltpu.sync_copy(z_v, acc.at[pl.ds(j * BLK, BLK)])
    plsc.subcore_barrier()

    base = (cid * NS + sid) * EPW

    @pl.loop(0, NFULL)
    def _(i):
        pltpu.sync_copy(dst_hbm.at[pl.ds(base + i * CHUNK, CHUNK)], idx_v)
        pltpu.sync_copy(ones_v, acc.at[idx_v], add=True)

    pltpu.sync_copy(dst_hbm.at[pl.ds(base + NFULL * CHUNK, TAIL)], idxt_v)
    pltpu.sync_copy(ones_v.at[pl.ds(0, TAIL)], acc.at[idxt_v], add=True)

    plsc.subcore_barrier()
    _blocked_copy(sid, lambda s: acc.at[s], lambda s: out_hbm.at[cid, s])


NB = 3
NGRP = NFULL // NB
NCHT = E // CHUNK


@functools.partial(
    pl.kernel,
    out_type=jax.ShapeDtypeStruct((NC, N, D), jnp.float32),
    mesh=_mesh,
    scratch_types=[
        [pltpu.VMEM((2, CHUNK), jnp.int32)] * NB,
        [pltpu.VMEM((CHUNK, D), jnp.float32)] * NB,
        [pltpu.SemaphoreType.DMA] * NB,
        pltpu.VMEM_SHARED((N, D), jnp.float32),
    ],
)
def _aggregate_kernel(table_hbm, sd_hbm, out_hbm, sdi, rows, gsem, acc):
    cid = lax.axis_index("c")
    sid = lax.axis_index("s")
    wid = cid * NS + sid

    _blocked_copy(sid, lambda s: table_hbm.at[s], lambda s: acc.at[s])
    plsc.subcore_barrier()

    base = wid * NFULL

    @pl.loop(0, NGRP)
    def _(g):
        c0 = base + g * NB
        for b in range(NB):
            pltpu.sync_copy(sd_hbm.at[c0 + b], sdi[b])
            pltpu.async_copy(table_hbm.at[sdi[b].at[0]], rows[b], gsem[b])
        for b in range(NB):
            pltpu.make_async_copy(table_hbm.at[sdi[b].at[0]], rows[b],
                                  gsem[b]).wait()
            pltpu.sync_copy(rows[b], acc.at[sdi[b].at[1]], add=True)

    @pl.when(wid < NCHT - NW * NFULL)
    def _():
        pltpu.sync_copy(sd_hbm.at[NW * NFULL + wid], sdi[0])
        pltpu.async_copy(table_hbm.at[sdi[0].at[0]], rows[0], gsem[0]).wait()
        pltpu.sync_copy(rows[0], acc.at[sdi[0].at[1]], add=True)

    plsc.subcore_barrier()
    _blocked_copy(sid, lambda s: acc.at[s], lambda s: out_hbm.at[cid, s])



_ROWS = 1000


def _mm_body(x_ref, w_ref, o_ref):
    o_ref[...] = lax.dot_general(
        x_ref[...], w_ref[...], (((1,), (0,)), ((), ())),
        preferred_element_type=jnp.float32,
        precision=lax.Precision.HIGHEST,
    )


def _matmul(x, w):
    return pl.pallas_call(
        _mm_body,
        grid=(N // _ROWS,),
        in_specs=[
            pl.BlockSpec((_ROWS, D), lambda i: (i, 0)),
            pl.BlockSpec((D, D), lambda i: (0, 0)),
        ],
        out_specs=pl.BlockSpec((_ROWS, D), lambda i: (i, 0)),
        out_shape=jax.ShapeDtypeStruct((N, D), jnp.float32),
    )(x, w)


def _dis_block(dp_ref):
    deg = 1.0 + dp_ref[0, :, 0:1] + dp_ref[1, :, 0:1]
    return lax.rsqrt(deg)


def _scale_body(dp_ref, h_ref, o_ref):
    o_ref[...] = h_ref[...] * _dis_block(dp_ref)


def _scale(deg_parts, h):
    return pl.pallas_call(
        _scale_body,
        grid=(N // _ROWS,),
        in_specs=[
            pl.BlockSpec((NC, _ROWS, DEGW), lambda i: (0, i, 0)),
            pl.BlockSpec((_ROWS, D), lambda i: (i, 0)),
        ],
        out_specs=pl.BlockSpec((_ROWS, D), lambda i: (i, 0)),
        out_shape=jax.ShapeDtypeStruct((N, D), jnp.float32),
    )(deg_parts, h)


def _mid_body(p_ref, h_ref, dp_ref, b1_ref, w2_ref, o_ref):
    dis = _dis_block(dp_ref)
    s = p_ref[0] + p_ref[1] - h_ref[...]
    z = jnp.maximum(s * dis + b1_ref[...], 0.0)
    o_ref[...] = lax.dot_general(
        z, w2_ref[...], (((1,), (0,)), ((), ())),
        preferred_element_type=jnp.float32,
        precision=lax.Precision.HIGHEST,
    ) * dis


def _mid(parts, h, deg_parts, b1, w2):
    return pl.pallas_call(
        _mid_body,
        grid=(N // _ROWS,),
        in_specs=[
            pl.BlockSpec((NC, _ROWS, D), lambda i: (0, i, 0)),
            pl.BlockSpec((_ROWS, D), lambda i: (i, 0)),
            pl.BlockSpec((NC, _ROWS, DEGW), lambda i: (0, i, 0)),
            pl.BlockSpec((1, D), lambda i: (0, 0)),
            pl.BlockSpec((D, D), lambda i: (0, 0)),
        ],
        out_specs=pl.BlockSpec((_ROWS, D), lambda i: (i, 0)),
        out_shape=jax.ShapeDtypeStruct((N, D), jnp.float32),
    )(parts, h, deg_parts, b1, w2)


def _final_body(p_ref, h_ref, dp_ref, b2_ref, o_ref):
    dis = _dis_block(dp_ref)
    s = p_ref[0] + p_ref[1] - h_ref[...]
    o_ref[...] = s * dis + b2_ref[...]


def _final(parts, h, deg_parts, b2):
    return pl.pallas_call(
        _final_body,
        grid=(N // _ROWS,),
        in_specs=[
            pl.BlockSpec((NC, _ROWS, D), lambda i: (0, i, 0)),
            pl.BlockSpec((_ROWS, D), lambda i: (i, 0)),
            pl.BlockSpec((NC, _ROWS, DEGW), lambda i: (0, i, 0)),
            pl.BlockSpec((1, D), lambda i: (0, 0)),
        ],
        out_specs=pl.BlockSpec((_ROWS, D), lambda i: (i, 0)),
        out_shape=jax.ShapeDtypeStruct((N, D), jnp.float32),
    )(parts, h, deg_parts, b2)



def kernel(x, edge_index, W1, b1, W2, b2):
    src = edge_index[0].astype(jnp.int32)
    dst = edge_index[1].astype(jnp.int32)
    b1r = b1.reshape(1, D)
    b2r = b2.reshape(1, D)

    sd = jnp.stack([src, dst]).reshape(2, NCHT, CHUNK).transpose(1, 0, 2)

    deg_parts = _degree_kernel(dst)
    h1_raw = _matmul(x, W1)
    h1 = _scale(deg_parts, h1_raw)
    p1 = _aggregate_kernel(h1, sd)
    h2 = _mid(p1, h1, deg_parts, b1r, W2)
    p2 = _aggregate_kernel(h2, sd)
    return _final(p2, h2, deg_parts, b2r)

# --- scband reference (transcript-rebuilt; emitter-appended) ---
"""Pipeline reference for scband-gnn-64836826301100 (READ-ONLY COPY).

The authoritative reference and input builder live on the scoring server;
editing this copy changes nothing except your own understanding.
"""

import jax, jax.numpy as jnp
import numpy as np

N_NODES = 10000
N_EDGES = 320000
D_IN = 128
D_HID = 128
D_OUT = 128


def setup_inputs(seed: int = 0) -> dict:
    key = jax.random.key(seed)
    k1, k2, k3, k4, k5, k6 = jax.random.split(key, 6)
    x = jax.random.normal(k1, (N_NODES, D_IN), dtype=jnp.float32)
    edge_index = jax.random.randint(k2, (2, N_EDGES), 0, N_NODES, dtype=jnp.int64)
    # GCNConv layer 1 params (Glorot init for weight, zeros for bias as in PyG)
    W1 = jax.random.normal(k3, (D_IN, D_HID), dtype=jnp.float32) * (1.0 / np.sqrt(D_IN))
    b1 = jnp.zeros((D_HID,), dtype=jnp.float32)
    # GCNConv layer 2 params
    W2 = jax.random.normal(k4, (D_HID, D_OUT), dtype=jnp.float32) * (1.0 / np.sqrt(D_HID))
    b2 = jnp.zeros((D_OUT,), dtype=jnp.float32)
    return {"x": x, "edge_index": edge_index, "W1": W1, "b1": b1, "W2": W2, "b2": b2}


def _gcn_conv(x, src, dst, W, b, num_nodes):
    # PyG GCNConv with add_self_loops=True, normalize=True, bias=True.
    # Self-loops are appended to the edge list.
    loop = jnp.arange(num_nodes, dtype=src.dtype)
    src_sl = jnp.concatenate([src, loop])
    dst_sl = jnp.concatenate([dst, loop])
    # gcn_norm: degree computed on destination (col), edge_weight = 1
    deg = jnp.zeros((num_nodes,), dtype=x.dtype).at[dst_sl].add(1.0)
    deg_inv_sqrt = jnp.where(deg > 0, 1.0 / jnp.sqrt(deg), 0.0)
    norm = deg_inv_sqrt[src_sl] * deg_inv_sqrt[dst_sl]
    # Linear transform first (as PyG does), then propagate (gather -> scale -> scatter-add)
    h = x @ W
    msg = jnp.take(h, src_sl, axis=0) * norm[:, None]
    out = jnp.zeros((num_nodes, W.shape[1]), dtype=x.dtype).at[dst_sl].add(msg)
    return out + b


def reference(x, edge_index, W1, b1, W2, b2):
    src = edge_index[0]
    dst = edge_index[1]
    h = _gcn_conv(x, src, dst, W1, b1, N_NODES)
    h = jax.nn.relu(h)
    out = _gcn_conv(h, src, dst, W2, b2, N_NODES)
    return out

if __name__ == "__main__":
    import jax
    _d = setup_inputs()
    print(jax.jit(kernel)(*tuple(_d.values())))

</pallas_src>

<mosaic_0001>
#map = affine_map<(d0, d1) -> (0, 0)>
#map1 = affine_map<(d0, d1) -> (0, 0, 0)>
module attributes {stable_mosaic.version = 14 : i64} {
  func.func @_aggregate_kernel(%arg0: i32, %arg1: i32, %arg2: memref<10000x128xf32, #tpu.memory_space<hbm>>, %arg3: memref<2500x2x128xi32, #tpu.memory_space<hbm>>, %arg4: memref<2x10000x128xf32, #tpu.memory_space<hbm>>, %arg5: memref<2x128xi32, #tpu.memory_space<vmem>>, %arg6: memref<2x128xi32, #tpu.memory_space<vmem>>, %arg7: memref<2x128xi32, #tpu.memory_space<vmem>>, %arg8: memref<128x128xf32, #tpu.memory_space<vmem>>, %arg9: memref<128x128xf32, #tpu.memory_space<vmem>>, %arg10: memref<128x128xf32, #tpu.memory_space<vmem>>, %arg11: memref<!tpu.dma_semaphore, #tpu.memory_space<semaphore_mem>>, %arg12: memref<!tpu.dma_semaphore, #tpu.memory_space<semaphore_mem>>, %arg13: memref<!tpu.dma_semaphore, #tpu.memory_space<semaphore_mem>>, %arg14: memref<10000x128xf32, #tpu.memory_space<vmem_shared>>) attributes {dimension_semantics = [#tpu.dimension_semantics<core_parallel>, #tpu.dimension_semantics<subcore_parallel>], iteration_bounds = array<i64: 2, 16>, scalar_prefetch = 0 : i64, scratch_operands = 10 : i64, tpu.core_type = #tpu.core_type<sc_vector_subcore>, window_params = [{transform_indices = #map}, {transform_indices = #map1}, {transform_indices = #map1}]} {
    %mul3A = arith.constant 16 : i32
    %mul3A_0 = arith.muli %arg0, %mul3A : i32
    %add3A = arith.addi %mul3A_0, %arg1 : i32
    %scan3A = arith.constant 0 : i32
    %scan3A_1 = arith.constant 50 : i32
    %scan3A_2 = arith.addi %scan3A, %scan3A_1 : i32
    %scan3A_3 = arith.constant 1 : i32
    scf.for %scan3A_20 = %scan3A to %scan3A_2 step %scan3A_3  : i32 {
      %mul3A_21 = arith.constant 1 : i32
      %mul3A_22 = arith.muli %scan3A_20, %mul3A_21 : i32
      %add3A_23 = arith.constant 0 : i32
      %add3A_24 = arith.addi %add3A_23, %mul3A_22 : i32
      %jit3A = arith.constant 16 : i32
      %eq3A = arith.constant 0 : i32
      %eq3A_25 = arith.cmpi eq, %jit3A, %eq3A : i32
      %jit3A_26 = arith.constant 1 : i32
      %select_n3A = arith.select %eq3A_25, %jit3A_26, %jit3A : i32
      %rem3A = arith.remsi %add3A_24, %select_n3A : i32
      %ne3A = arith.constant 0 : i32
      %ne3A_27 = arith.cmpi ne, %rem3A, %ne3A : i32
      %lt3A_28 = arith.constant 0 : i32
      %lt3A_29 = arith.cmpi slt, %rem3A, %lt3A_28 : i32
      %lt3A_30 = arith.constant 0 : i32
      %lt3A_31 = arith.cmpi slt, %select_n3A, %lt3A_30 : i32
      %ne3A_32 = arith.xori %lt3A_29, %lt3A_31 : i1
      %and3A = arith.andi %ne3A_32, %ne3A_27 : i1
      %add3A_33 = arith.addi %rem3A, %select_n3A : i32
      %select_n3A_34 = arith.select %and3A, %add3A_33, %rem3A : i32
      %eq3A_35 = arith.cmpi eq, %select_n3A_34, %arg1 : i32
      %convert_element_type3A_36 = arith.extui %eq3A_35 : i1 to i32
      %cond3A_37 = arith.constant 0 : i32
      %cond3A_38 = arith.cmpi ne, %convert_element_type3A_36, %cond3A_37 : i32
      scf.if %cond3A_38 {
        %mul3A_39 = arith.constant 200 : i32
        %mul3A_40 = arith.muli %add3A_24, %mul3A_39 : i32
        %mul3A_41 = arith.constant 200 : i32
        %mul3A_42 = arith.muli %add3A_24, %mul3A_41 : i32
        "tpu.region"() ({
          %run_scoped3A = tpu.sem_alloc : memref<!tpu.dma_semaphore, #tpu.memory_space<semaphore_mem>>
          %dma_start3A = arith.constant 0 : i32
          %dma_start3A_43 = tpu.memref_slice %arg14[%mul3A_42, %dma_start3A] : memref<10000x128xf32, #tpu.memory_space<vmem_shared>> -> memref<200x128xf32, #tpu.memory_space<vmem_shared>>
          %dma_start3A_44 = arith.constant 0 : i32
          %dma_start3A_45 = tpu.memref_slice %arg2[%mul3A_40, %dma_start3A_44] : memref<10000x128xf32, #tpu.memory_space<hbm>> -> memref<200x128xf32, #tpu.memory_space<hbm>>
          tpu.enqueue_dma source(%dma_start3A_45 : memref<200x128xf32, #tpu.memory_space<hbm>>) target(%dma_start3A_43 : memref<200x128xf32, #tpu.memory_space<vmem_shared>>) target_semaphore(%run_scoped3A : memref<!tpu.dma_semaphore, #tpu.memory_space<semaphore_mem>>)
          %dma_wait3A = arith.constant 0 : i32
          %dma_wait3A_46 = tpu.memref_slice %arg14[%mul3A_42, %dma_wait3A] : memref<10000x128xf32, #tpu.memory_space<vmem_shared>> -> memref<200x128xf32, #tpu.memory_space<vmem_shared>>
          %dma_wait3A_47 = arith.constant 0 : i32
          %dma_wait3A_48 = tpu.memref_slice %arg2[%mul3A_40, %dma_wait3A_47] : memref<10000x128xf32, #tpu.memory_space<hbm>> -> memref<200x128xf32, #tpu.memory_space<hbm>>
          tpu.wait_dma2 semaphore(%run_scoped3A : memref<!tpu.dma_semaphore, #tpu.memory_space<semaphore_mem>>) src(%dma_wait3A_48 : memref<200x128xf32, #tpu.memory_space<hbm>>) dst(%dma_wait3A_46 : memref<200x128xf32, #tpu.memory_space<vmem_shared>>)
          tpu.yield
        }) : () -> ()
      } else {
      }
    }
    %scan3A_4 = arith.constant 50 : i32
    %barrier3A = arith.constant 0 : index
    tpu.barrier barrier_id(%barrier3A)
    %mul3A_5 = arith.constant 78 : i32
    %mul3A_6 = arith.muli %add3A, %mul3A_5 : i32
    %scan3A_7 = arith.constant 0 : i32
    %scan3A_8 = arith.constant 26 : i32
    %scan3A_9 = arith.addi %scan3A_7, %scan3A_8 : i32
    %scan3A_10 = arith.constant 1 : i32
    scf.for %scan3A_20 = %scan3A_7 to %scan3A_9 step %scan3A_10  : i32 {
      %mul3A_21 = arith.constant 1 : i32
      %mul3A_22 = arith.muli %scan3A_20, %mul3A_21 : i32
      %add3A_23 = arith.constant 0 : i32
      %add3A_24 = arith.addi %add3A_23, %mul3A_22 : i32
      %mul3A_25 = arith.constant 3 : i32
      %mul3A_26 = arith.muli %add3A_24, %mul3A_25 : i32
      %add3A_27 = arith.addi %mul3A_6, %mul3A_26 : i32
      %add3A_28 = arith.constant 0 : i32
      %add3A_29 = arith.addi %add3A_27, %add3A_28 : i32
      "tpu.region"() ({
        %run_scoped3A_76 = tpu.sem_alloc : memref<!tpu.dma_semaphore, #tpu.memory_space<semaphore_mem>>
        %dma_start3A_77 = arith.constant 0 : i32
        %dma_start3A_78 = arith.constant 0 : i32
        %dma_start3A_79 = tpu.memref_slice %arg3[%add3A_29, %dma_start3A_77, %dma_start3A_78] : memref<2500x2x128xi32, #tpu.memory_space<hbm>> -> memref<1x2x128xi32, #tpu.memory_space<hbm>>
        %dma_start3A_80 = tpu.memref_squeeze %dma_start3A_79 : memref<1x2x128xi32, #tpu.memory_space<hbm>> -> memref<2x128xi32, #tpu.memory_space<hbm>>
        %dma_start3A_81 = arith.constant 0 : i32
        %dma_start3A_82 = arith.constant 0 : i32
        %dma_start3A_83 = tpu.memref_slice %arg3[%add3A_29, %dma_start3A_81, %dma_start3A_82] : memref<2500x2x128xi32, #tpu.memory_space<hbm>> -> memref<1x2x128xi32, #tpu.memory_space<hbm>>
        %dma_start3A_84 = tpu.memref_squeeze %dma_start3A_83 : memref<1x2x128xi32, #tpu.memory_space<hbm>> -> memref<2x128xi32, #tpu.memory_space<hbm>>
        tpu.enqueue_dma source(%dma_start3A_84 : memref<2x128xi32, #tpu.memory_space<hbm>>) target(%arg5 : memref<2x128xi32, #tpu.memory_space<vmem>>) target_semaphore(%run_scoped3A_76 : memref<!tpu.dma_semaphore, #tpu.memory_space<semaphore_mem>>)
        %dma_wait3A_85 = arith.constant 0 : i32
        %dma_wait3A_86 = arith.constant 0 : i32
        %dma_wait3A_87 = tpu.memref_slice %arg3[%add3A_29, %dma_wait3A_85, %dma_wait3A_86] : memref<2500x2x128xi32, #tpu.memory_space<hbm>> -> memref<1x2x128xi32, #tpu.memory_space<hbm>>
        %dma_wait3A_88 = tpu.memref_squeeze %dma_wait3A_87 : memref<1x2x128xi32, #tpu.memory_space<hbm>> -> memref<2x128xi32, #tpu.memory_space<hbm>>
        %dma_wait3A_89 = arith.constant 0 : i32
        %dma_wait3A_90 = arith.constant 0 : i32
        %dma_wait3A_91 = tpu.memref_slice %arg3[%add3A_29, %dma_wait3A_89, %dma_wait3A_90] : memref<2500x2x128xi32, #tpu.memory_space<hbm>> -> memref<1x2x128xi32, #tpu.memory_space<hbm>>
        %dma_wait3A_92 = tpu.memref_squeeze %dma_wait3A_91 : memref<1x2x128xi32, #tpu.memory_space<hbm>> -> memref<2x128xi32, #tpu.memory_space<hbm>>
        tpu.wait_dma2 semaphore(%run_scoped3A_76 : memref<!tpu.dma_semaphore, #tpu.memory_space<semaphore_mem>>) src(%dma_wait3A_92 : memref<2x128xi32, #tpu.memory_space<hbm>>) dst(%arg5 : memref<2x128xi32, #tpu.memory_space<vmem>>)
        tpu.yield
      }) : () -> ()
      %dma_start3A = arith.constant 0 : i32
      %dma_start3A_30 = arith.constant 0 : i32
      %dma_start3A_31 = tpu.memref_slice %arg5[%dma_start3A, %dma_start3A_30] : memref<2x128xi32, #tpu.memory_space<vmem>> -> memref<1x128xi32, #tpu.memory_space<vmem>>
      %dma_start3A_32 = tpu.memref_squeeze %dma_start3A_31 : memref<1x128xi32, #tpu.memory_space<vmem>> -> memref<128xi32, #tpu.memory_space<vmem>>
      %dma_start3A_33 = arith.constant 0 : i32
      %dma_start3A_34 = arith.constant 0 : i32
      %dma_start3A_35 = tpu.memref_slice %arg2[%dma_start3A_33, %dma_start3A_34] : memref<10000x128xf32, #tpu.memory_space<hbm>> -> memref<10000x128xf32, #tpu.memory_space<hbm>>
      tpu.enqueue_indirect_dma source(%dma_start3A_35 : memref<10000x128xf32, #tpu.memory_space<hbm>>) target(%arg8 : memref<128x128xf32, #tpu.memory_space<vmem>>) offsets(%dma_start3A_32 : memref<128xi32, #tpu.memory_space<vmem>>) semaphore(%arg11 : memref<!tpu.dma_semaphore, #tpu.memory_space<semaphore_mem>>)
      %add3A_36 = arith.constant 1 : i32
      %add3A_37 = arith.addi %add3A_27, %add3A_36 : i32
      "tpu.region"() ({
        %run_scoped3A_76 = tpu.sem_alloc : memref<!tpu.dma_semaphore, #tpu.memory_space<semaphore_mem>>
        %dma_start3A_77 = arith.constant 0 : i32
        %dma_start3A_78 = arith.constant 0 : i32
        %dma_start3A_79 = tpu.memref_slice %arg3[%add3A_37, %dma_start3A_77, %dma_start3A_78] : memref<2500x2x128xi32, #tpu.memory_space<hbm>> -> memref<1x2x128xi32, #tpu.memory_space<hbm>>
        %dma_start3A_80 = tpu.memref_squeeze %dma_start3A_79 : memref<1x2x128xi32, #tpu.memory_space<hbm>> -> memref<2x128xi32, #tpu.memory_space<hbm>>
        %dma_start3A_81 = arith.constant 0 : i32
        %dma_start3A_82 = arith.constant 0 : i32
        %dma_start3A_83 = tpu.memref_slice %arg3[%add3A_37, %dma_start3A_81, %dma_start3A_82] : memref<2500x2x128xi32, #tpu.memory_space<hbm>> -> memref<1x2x128xi32, #tpu.memory_space<hbm>>
        %dma_start3A_84 = tpu.memref_squeeze %dma_start3A_83 : memref<1x2x128xi32, #tpu.memory_space<hbm>> -> memref<2x128xi32, #tpu.memory_space<hbm>>
        tpu.enqueue_dma source(%dma_start3A_84 : memref<2x128xi32, #tpu.memory_space<hbm>>) target(%arg6 : memref<2x128xi32, #tpu.memory_space<vmem>>) target_semaphore(%run_scoped3A_76 : memref<!tpu.dma_semaphore, #tpu.memory_space<semaphore_mem>>)
        %dma_wait3A_85 = arith.constant 0 : i32
        %dma_wait3A_86 = arith.constant 0 : i32
        %dma_wait3A_87 = tpu.memref_slice %arg3[%add3A_37, %dma_wait3A_85, %dma_wait3A_86] : memref<2500x2x128xi32, #tpu.memory_space<hbm>> -> memref<1x2x128xi32, #tpu.memory_space<hbm>>
        %dma_wait3A_88 = tpu.memref_squeeze %dma_wait3A_87 : memref<1x2x128xi32, #tpu.memory_space<hbm>> -> memref<2x128xi32, #tpu.memory_space<hbm>>
        %dma_wait3A_89 = arith.constant 0 : i32
        %dma_wait3A_90 = arith.constant 0 : i32
        %dma_wait3A_91 = tpu.memref_slice %arg3[%add3A_37, %dma_wait3A_89, %dma_wait3A_90] : memref<2500x2x128xi32, #tpu.memory_space<hbm>> -> memref<1x2x128xi32, #tpu.memory_space<hbm>>
        %dma_wait3A_92 = tpu.memref_squeeze %dma_wait3A_91 : memref<1x2x128xi32, #tpu.memory_space<hbm>> -> memref<2x128xi32, #tpu.memory_space<hbm>>
        tpu.wait_dma2 semaphore(%run_scoped3A_76 : memref<!tpu.dma_semaphore, #tpu.memory_space<semaphore_mem>>) src(%dma_wait3A_92 : memref<2x128xi32, #tpu.memory_space<hbm>>) dst(%arg6 : memref<2x128xi32, #tpu.memory_space<vmem>>)
        tpu.yield
      }) : () -> ()
      %dma_start3A_38 = arith.constant 0 : i32
      %dma_start3A_39 = arith.constant 0 : i32
      %dma_start3A_40 = tpu.memref_slice %arg6[%dma_start3A_38, %dma_start3A_39] : memref<2x128xi32, #tpu.memory_space<vmem>> -> memref<1x128xi32, #tpu.memory_space<vmem>>
      %dma_start3A_41 = tpu.memref_squeeze %dma_start3A_40 : memref<1x128xi32, #tpu.memory_space<vmem>> -> memref<128xi32, #tpu.memory_space<vmem>>
      %dma_start3A_42 = arith.constant 0 : i32
      %dma_start3A_43 = arith.constant 0 : i32
      %dma_start3A_44 = tpu.memref_slice %arg2[%dma_start3A_42, %dma_start3A_43] : memref<10000x128xf32, #tpu.memory_space<hbm>> -> memref<10000x128xf32, #tpu.memory_space<hbm>>
      tpu.enqueue_indirect_dma source(%dma_start3A_44 : memref<10000x128xf32, #tpu.memory_space<hbm>>) target(%arg9 : memref<128x128xf32, #tpu.memory_space<vmem>>) offsets(%dma_start3A_41 : memref<128xi32, #tpu.memory_space<vmem>>) semaphore(%arg12 : memref<!tpu.dma_semaphore, #tpu.memory_space<semaphore_mem>>)
      %add3A_45 = arith.constant 2 : i32
      %add3A_46 = arith.addi %add3A_27, %add3A_45 : i32
      "tpu.region"() ({
        %run_scoped3A_76 = tpu.sem_alloc : memref<!tpu.dma_semaphore, #tpu.memory_space<semaphore_mem>>
        %dma_start3A_77 = arith.constant 0 : i32
        %dma_start3A_78 = arith.constant 0 : i32
        %dma_start3A_79 = tpu.memref_slice %arg3[%add3A_46, %dma_start3A_77, %dma_start3A_78] : memref<2500x2x128xi32, #tpu.memory_space<hbm>> -> memref<1x2x128xi32, #tpu.memory_space<hbm>>
        %dma_start3A_80 = tpu.memref_squeeze %dma_start3A_79 : memref<1x2x128xi32, #tpu.memory_space<hbm>> -> memref<2x128xi32, #tpu.memory_space<hbm>>
        %dma_start3A_81 = arith.constant 0 : i32
        %dma_start3A_82 = arith.constant 0 : i32
        %dma_start3A_83 = tpu.memref_slice %arg3[%add3A_46, %dma_start3A_81, %dma_start3A_82] : memref<2500x2x128xi32, #tpu.memory_space<hbm>> -> memref<1x2x128xi32, #tpu.memory_space<hbm>>
        %dma_start3A_84 = tpu.memref_squeeze %dma_start3A_83 : memref<1x2x128xi32, #tpu.memory_space<hbm>> -> memref<2x128xi32, #tpu.memory_space<hbm>>
        tpu.enqueue_dma source(%dma_start3A_84 : memref<2x128xi32, #tpu.memory_space<hbm>>) target(%arg7 : memref<2x128xi32, #tpu.memory_space<vmem>>) target_semaphore(%run_scoped3A_76 : memref<!tpu.dma_semaphore, #tpu.memory_space<semaphore_mem>>)
        %dma_wait3A_85 = arith.constant 0 : i32
        %dma_wait3A_86 = arith.constant 0 : i32
        %dma_wait3A_87 = tpu.memref_slice %arg3[%add3A_46, %dma_wait3A_85, %dma_wait3A_86] : memref<2500x2x128xi32, #tpu.memory_space<hbm>> -> memref<1x2x128xi32, #tpu.memory_space<hbm>>
        %dma_wait3A_88 = tpu.memref_squeeze %dma_wait3A_87 : memref<1x2x128xi32, #tpu.memory_space<hbm>> -> memref<2x128xi32, #tpu.memory_space<hbm>>
        %dma_wait3A_89 = arith.constant 0 : i32
        %dma_wait3A_90 = arith.constant 0 : i32
        %dma_wait3A_91 = tpu.memref_slice %arg3[%add3A_46, %dma_wait3A_89, %dma_wait3A_90] : memref<2500x2x128xi32, #tpu.memory_space<hbm>> -> memref<1x2x128xi32, #tpu.memory_space<hbm>>
        %dma_wait3A_92 = tpu.memref_squeeze %dma_wait3A_91 : memref<1x2x128xi32, #tpu.memory_space<hbm>> -> memref<2x128xi32, #tpu.memory_space<hbm>>
        tpu.wait_dma2 semaphore(%run_scoped3A_76 : memref<!tpu.dma_semaphore, #tpu.memory_space<semaphore_mem>>) src(%dma_wait3A_92 : memref<2x128xi32, #tpu.memory_space<hbm>>) dst(%arg7 : memref<2x128xi32, #tpu.memory_space<vmem>>)
        tpu.yield
      }) : () -> ()
      %dma_start3A_47 = arith.constant 0 : i32
      %dma_start3A_48 = arith.constant 0 : i32
      %dma_start3A_49 = tpu.memref_slice %arg7[%dma_start3A_47, %dma_start3A_48] : memref<2x128xi32, #tpu.memory_space<vmem>> -> memref<1x128xi32, #tpu.memory_space<vmem>>
      %dma_start3A_50 = tpu.memref_squeeze %dma_start3A_49 : memref<1x128xi32, #tpu.memory_space<vmem>> -> memref<128xi32, #tpu.memory_space<vmem>>
      %dma_start3A_51 = arith.constant 0 : i32
      %dma_start3A_52 = arith.constant 0 : i32
      %dma_start3A_53 = tpu.memref_slice %arg2[%dma_start3A_51, %dma_start3A_52] : memref<10000x128xf32, #tpu.memory_space<hbm>> -> memref<10000x128xf32, #tpu.memory_space<hbm>>
      tpu.enqueue_indirect_dma source(%dma_start3A_53 : memref<10000x128xf32, #tpu.memory_space<hbm>>) target(%arg10 : memref<128x128xf32, #tpu.memory_space<vmem>>) offsets(%dma_start3A_50 : memref<128xi32, #tpu.memory_space<vmem>>) semaphore(%arg13 : memref<!tpu.dma_semaphore, #tpu.memory_space<semaphore_mem>>)
      %dma_wait3A = arith.constant 0 : i32
      %dma_wait3A_54 = arith.constant 0 : i32
      %dma_wait3A_55 = tpu.memref_slice %arg5[%dma_wait3A, %dma_wait3A_54] : memref<2x128xi32, #tpu.memory_space<vmem>> -> memref<1x128xi32, #tpu.memory_space<vmem>>
      %dma_wait3A_56 = tpu.memref_squeeze %dma_wait3A_55 : memref<1x128xi32, #tpu.memory_space<vmem>> -> memref<128xi32, #tpu.memory_space<vmem>>
      %dma_wait3A_57 = arith.constant 0 : i32
      %dma_wait3A_58 = arith.constant 0 : i32
      %dma_wait3A_59 = tpu.memref_slice %arg2[%dma_wait3A_57, %dma_wait3A_58] : memref<10000x128xf32, #tpu.memory_space<hbm>> -> memref<10000x128xf32, #tpu.memory_space<hbm>>
      tpu.wait_indirect_dma semaphore(%arg11 : memref<!tpu.dma_semaphore, #tpu.memory_space<semaphore_mem>>) src(%dma_wait3A_59 : memref<10000x128xf32, #tpu.memory_space<hbm>>) dst(%arg8 : memref<128x128xf32, #tpu.memory_space<vmem>>)
      %run_scoped3A = arith.constant 1 : i32
      "tpu.region"() ({
        %run_scoped3A_76 = tpu.sem_alloc : memref<!tpu.dma_semaphore, #tpu.memory_space<semaphore_mem>>
        %dma_start3A_77 = arith.constant 0 : i32
        %dma_start3A_78 = tpu.memref_slice %arg5[%run_scoped3A, %dma_start3A_77] : memref<2x128xi32, #tpu.memory_space<vmem>> -> memref<1x128xi32, #tpu.memory_space<vmem>>
        %dma_start3A_79 = tpu.memref_squeeze %dma_start3A_78 : memref<1x128xi32, #tpu.memory_space<vmem>> -> memref<128xi32, #tpu.memory_space<vmem>>
        %dma_start3A_80 = arith.constant 0 : i32
        %dma_start3A_81 = arith.constant 0 : i32
        %dma_start3A_82 = tpu.memref_slice %arg14[%dma_start3A_80, %dma_start3A_81] : memref<10000x128xf32, #tpu.memory_space<vmem_shared>> -> memref<10000x128xf32, #tpu.memory_space<vmem_shared>>
        tpu.enqueue_indirect_dma source(%arg8 : memref<128x128xf32, #tpu.memory_space<vmem>>) target(%dma_start3A_82 : memref<10000x128xf32, #tpu.memory_space<vmem_shared>>) offsets(%dma_start3A_79 : memref<128xi32, #tpu.memory_space<vmem>>) semaphore(%run_scoped3A_76 : memref<!tpu.dma_semaphore, #tpu.memory_space<semaphore_mem>>) {add = true}
        %dma_wait3A_83 = arith.constant 0 : i32
        %dma_wait3A_84 = tpu.memref_slice %arg5[%run_scoped3A, %dma_wait3A_83] : memref<2x128xi32, #tpu.memory_space<vmem>> -> memref<1x128xi32, #tpu.memory_space<vmem>>
        %dma_wait3A_85 = tpu.memref_squeeze %dma_wait3A_84 : memref<1x128xi32, #tpu.memory_space<vmem>> -> memref<128xi32, #tpu.memory_space<vmem>>
        %dma_wait3A_86 = arith.constant 0 : i32
        %dma_wait3A_87 = arith.constant 0 : i32
        %dma_wait3A_88 = tpu.memref_slice %arg14[%dma_wait3A_86, %dma_wait3A_87] : memref<10000x128xf32, #tpu.memory_space<vmem_shared>> -> memref<10000x128xf32, #tpu.memory_space<vmem_shared>>
        tpu.wait_indirect_dma semaphore(%run_scoped3A_76 : memref<!tpu.dma_semaphore, #tpu.memory_space<semaphore_mem>>) src(%arg8 : memref<128x128xf32, #tpu.memory_space<vmem>>) dst(%dma_wait3A_88 : memref<10000x128xf32, #tpu.memory_space<vmem_shared>>)
        tpu.yield
      }) : () -> ()
      %dma_wait3A_60 = arith.constant 0 : i32
      %dma_wait3A_61 = arith.constant 0 : i32
      %dma_wait3A_62 = tpu.memref_slice %arg6[%dma_wait3A_60, %dma_wait3A_61] : memref<2x128xi32, #tpu.memory_space<vmem>> -> memref<1x128xi32, #tpu.memory_space<vmem>>
      %dma_wait3A_63 = tpu.memref_squeeze %dma_wait3A_62 : memref<1x128xi32, #tpu.memory_space<vmem>> -> memref<128xi32, #tpu.memory_space<vmem>>
      %dma_wait3A_64 = arith.constant 0 : i32
      %dma_wait3A_65 = arith.constant 0 : i32
      %dma_wait3A_66 = tpu.memref_slice %arg2[%dma_wait3A_64, %dma_wait3A_65] : memref<10000x128xf32, #tpu.memory_space<hbm>> -> memref<10000x128xf32, #tpu.memory_space<hbm>>
      tpu.wait_indirect_dma semaphore(%arg12 : memref<!tpu.dma_semaphore, #tpu.memory_space<semaphore_mem>>) src(%dma_wait3A_66 : memref<10000x128xf32, #tpu.memory_space<hbm>>) dst(%arg9 : memref<128x128xf32, #tpu.memory_space<vmem>>)
      %run_scoped3A_67 = arith.constant 1 : i32
      "tpu.region"() ({
        %run_scoped3A_76 = tpu.sem_alloc : memref<!tpu.dma_semaphore, #tpu.memory_space<semaphore_mem>>
        %dma_start3A_77 = arith.constant 0 : i32
        %dma_start3A_78 = tpu.memref_slice %arg6[%run_scoped3A_67, %dma_start3A_77] : memref<2x128xi32, #tpu.memory_space<vmem>> -> memref<1x128xi32, #tpu.memory_space<vmem>>
        %dma_start3A_79 = tpu.memref_squeeze %dma_start3A_78 : memref<1x128xi32, #tpu.memory_space<vmem>> -> memref<128xi32, #tpu.memory_space<vmem>>
        %dma_start3A_80 = arith.constant 0 : i32
        %dma_start3A_81 = arith.constant 0 : i32
        %dma_start3A_82 = tpu.memref_slice %arg14[%dma_start3A_80, %dma_start3A_81] : memref<10000x128xf32, #tpu.memory_space<vmem_shared>> -> memref<10000x128xf32, #tpu.memory_space<vmem_shared>>
        tpu.enqueue_indirect_dma source(%arg9 : memref<128x128xf32, #tpu.memory_space<vmem>>) target(%dma_start3A_82 : memref<10000x128xf32, #tpu.memory_space<vmem_shared>>) offsets(%dma_start3A_79 : memref<128xi32, #tpu.memory_space<vmem>>) semaphore(%run_scoped3A_76 : memref<!tpu.dma_semaphore, #tpu.memory_space<semaphore_mem>>) {add = true}
        %dma_wait3A_83 = arith.constant 0 : i32
        %dma_wait3A_84 = tpu.memref_slice %arg6[%run_scoped3A_67, %dma_wait3A_83] : memref<2x128xi32, #tpu.memory_space<vmem>> -> memref<1x128xi32, #tpu.memory_space<vmem>>
        %dma_wait3A_85 = tpu.memref_squeeze %dma_wait3A_84 : memref<1x128xi32, #tpu.memory_space<vmem>> -> memref<128xi32, #tpu.memory_space<vmem>>
        %dma_wait3A_86 = arith.constant 0 : i32
        %dma_wait3A_87 = arith.constant 0 : i32
        %dma_wait3A_88 = tpu.memref_slice %arg14[%dma_wait3A_86, %dma_wait3A_87] : memref<10000x128xf32, #tpu.memory_space<vmem_shared>> -> memref<10000x128xf32, #tpu.memory_space<vmem_shared>>
        tpu.wait_indirect_dma semaphore(%run_scoped3A_76 : memref<!tpu.dma_semaphore, #tpu.memory_space<semaphore_mem>>) src(%arg9 : memref<128x128xf32, #tpu.memory_space<vmem>>) dst(%dma_wait3A_88 : memref<10000x128xf32, #tpu.memory_space<vmem_shared>>)
        tpu.yield
      }) : () -> ()
      %dma_wait3A_68 = arith.constant 0 : i32
      %dma_wait3A_69 = arith.constant 0 : i32
      %dma_wait3A_70 = tpu.memref_slice %arg7[%dma_wait3A_68, %dma_wait3A_69] : memref<2x128xi32, #tpu.memory_space<vmem>> -> memref<1x128xi32, #tpu.memory_space<vmem>>
      %dma_wait3A_71 = tpu.memref_squeeze %dma_wait3A_70 : memref<1x128xi32, #tpu.memory_space<vmem>> -> memref<128xi32, #tpu.memory_space<vmem>>
      %dma_wait3A_72 = arith.constant 0 : i32
      %dma_wait3A_73 = arith.constant 0 : i32
      %dma_wait3A_74 = tpu.memref_slice %arg2[%dma_wait3A_72, %dma_wait3A_73] : memref<10000x128xf32, #tpu.memory_space<hbm>> -> memref<10000x128xf32, #tpu.memory_space<hbm>>
      tpu.wait_indirect_dma semaphore(%arg13 : memref<!tpu.dma_semaphore, #tpu.memory_space<semaphore_mem>>) src(%dma_wait3A_74 : memref<10000x128xf32, #tpu.memory_space<hbm>>) dst(%arg10 : memref<128x128xf32, #tpu.memory_space<vmem>>)
      %run_scoped3A_75 = arith.constant 1 : i32
      "tpu.region"() ({
        %run_scoped3A_76 = tpu.sem_alloc : memref<!tpu.dma_semaphore, #tpu.memory_space<semaphore_mem>>
        %dma_start3A_77 = arith.constant 0 : i32
        %dma_start3A_78 = tpu.memref_slice %arg7[%run_scoped3A_75, %dma_start3A_77] : memref<2x128xi32, #tpu.memory_space<vmem>> -> memref<1x128xi32, #tpu.memory_space<vmem>>
        %dma_start3A_79 = tpu.memref_squeeze %dma_start3A_78 : memref<1x128xi32, #tpu.memory_space<vmem>> -> memref<128xi32, #tpu.memory_space<vmem>>
        %dma_start3A_80 = arith.constant 0 : i32
        %dma_start3A_81 = arith.constant 0 : i32
        %dma_start3A_82 = tpu.memref_slice %arg14[%dma_start3A_80, %dma_start3A_81] : memref<10000x128xf32, #tpu.memory_space<vmem_shared>> -> memref<10000x128xf32, #tpu.memory_space<vmem_shared>>
        tpu.enqueue_indirect_dma source(%arg10 : memref<128x128xf32, #tpu.memory_space<vmem>>) target(%dma_start3A_82 : memref<10000x128xf32, #tpu.memory_space<vmem_shared>>) offsets(%dma_start3A_79 : memref<128xi32, #tpu.memory_space<vmem>>) semaphore(%run_scoped3A_76 : memref<!tpu.dma_semaphore, #tpu.memory_space<semaphore_mem>>) {add = true}
        %dma_wait3A_83 = arith.constant 0 : i32
        %dma_wait3A_84 = tpu.memref_slice %arg7[%run_scoped3A_75, %dma_wait3A_83] : memref<2x128xi32, #tpu.memory_space<vmem>> -> memref<1x128xi32, #tpu.memory_space<vmem>>
        %dma_wait3A_85 = tpu.memref_squeeze %dma_wait3A_84 : memref<1x128xi32, #tpu.memory_space<vmem>> -> memref<128xi32, #tpu.memory_space<vmem>>
        %dma_wait3A_86 = arith.constant 0 : i32
        %dma_wait3A_87 = arith.constant 0 : i32
        %dma_wait3A_88 = tpu.memref_slice %arg14[%dma_wait3A_86, %dma_wait3A_87] : memref<10000x128xf32, #tpu.memory_space<vmem_shared>> -> memref<10000x128xf32, #tpu.memory_space<vmem_shared>>
        tpu.wait_indirect_dma semaphore(%run_scoped3A_76 : memref<!tpu.dma_semaphore, #tpu.memory_space<semaphore_mem>>) src(%arg10 : memref<128x128xf32, #tpu.memory_space<vmem>>) dst(%dma_wait3A_88 : memref<10000x128xf32, #tpu.memory_space<vmem_shared>>)
        tpu.yield
      }) : () -> ()
    }
    %scan3A_11 = arith.constant 26 : i32
    %lt3A = arith.constant 4 : i32
    %lt3A_12 = arith.cmpi slt, %add3A, %lt3A : i32
    %convert_element_type3A = arith.extui %lt3A_12 : i1 to i32
    %cond3A = arith.constant 0 : i32
    %cond3A_13 = arith.cmpi ne, %convert_element_type3A, %cond3A : i32
    scf.if %cond3A_13 {
      %add3A_20 = arith.constant 2496 : i32
      %add3A_21 = arith.addi %add3A_20, %add3A : i32
      "tpu.region"() ({
        %run_scoped3A_34 = tpu.sem_alloc : memref<!tpu.dma_semaphore, #tpu.memory_space<semaphore_mem>>
        %dma_start3A_35 = arith.constant 0 : i32
        %dma_start3A_36 = arith.constant 0 : i32
        %dma_start3A_37 = tpu.memref_slice %arg3[%add3A_21, %dma_start3A_35, %dma_start3A_36] : memref<2500x2x128xi32, #tpu.memory_space<hbm>> -> memref<1x2x128xi32, #tpu.memory_space<hbm>>
        %dma_start3A_38 = tpu.memref_squeeze %dma_start3A_37 : memref<1x2x128xi32, #tpu.memory_space<hbm>> -> memref<2x128xi32, #tpu.memory_space<hbm>>
        %dma_start3A_39 = arith.constant 0 : i32
        %dma_start3A_40 = arith.constant 0 : i32
        %dma_start3A_41 = tpu.memref_slice %arg3[%add3A_21, %dma_start3A_39, %dma_start3A_40] : memref<2500x2x128xi32, #tpu.memory_space<hbm>> -> memref<1x2x128xi32, #tpu.memory_space<hbm>>
        %dma_start3A_42 = tpu.memref_squeeze %dma_start3A_41 : memref<1x2x128xi32, #tpu.memory_space<hbm>> -> memref<2x128xi32, #tpu.memory_space<hbm>>
        tpu.enqueue_dma source(%dma_start3A_42 : memref<2x128xi32, #tpu.memory_space<hbm>>) target(%arg5 : memref<2x128xi32, #tpu.memory_space<vmem>>) target_semaphore(%run_scoped3A_34 : memref<!tpu.dma_semaphore, #tpu.memory_space<semaphore_mem>>)
        %dma_wait3A_43 = arith.constant 0 : i32
        %dma_wait3A_44 = arith.constant 0 : i32
        %dma_wait3A_45 = tpu.memref_slice %arg3[%add3A_21, %dma_wait3A_43, %dma_wait3A_44] : memref<2500x2x128xi32, #tpu.memory_space<hbm>> -> memref<1x2x128xi32, #tpu.memory_space<hbm>>
        %dma_wait3A_46 = tpu.memref_squeeze %dma_wait3A_45 : memref<1x2x128xi32, #tpu.memory_space<hbm>> -> memref<2x128xi32, #tpu.memory_space<hbm>>
        %dma_wait3A_47 = arith.constant 0 : i32
        %dma_wait3A_48 = arith.constant 0 : i32
        %dma_wait3A_49 = tpu.memref_slice %arg3[%add3A_21, %dma_wait3A_47, %dma_wait3A_48] : memref<2500x2x128xi32, #tpu.memory_space<hbm>> -> memref<1x2x128xi32, #tpu.memory_space<hbm>>
        %dma_wait3A_50 = tpu.memref_squeeze %dma_wait3A_49 : memref<1x2x128xi32, #tpu.memory_space<hbm>> -> memref<2x128xi32, #tpu.memory_space<hbm>>
        tpu.wait_dma2 semaphore(%run_scoped3A_34 : memref<!tpu.dma_semaphore, #tpu.memory_space<semaphore_mem>>) src(%dma_wait3A_50 : memref<2x128xi32, #tpu.memory_space<hbm>>) dst(%arg5 : memref<2x128xi32, #tpu.memory_space<vmem>>)
        tpu.yield
      }) : () -> ()
      %dma_start3A = arith.constant 0 : i32
      %dma_start3A_22 = arith.constant 0 : i32
      %dma_start3A_23 = tpu.memref_slice %arg5[%dma_start3A, %dma_start3A_22] : memref<2x128xi32, #tpu.memory_space<vmem>> -> memref<1x128xi32, #tpu.memory_space<vmem>>
      %dma_start3A_24 = tpu.memref_squeeze %dma_start3A_23 : memref<1x128xi32, #tpu.memory_space<vmem>> -> memref<128xi32, #tpu.memory_space<vmem>>
      %dma_start3A_25 = arith.constant 0 : i32
      %dma_start3A_26 = arith.constant 0 : i32
      %dma_start3A_27 = tpu.memref_slice %arg2[%dma_start3A_25, %dma_start3A_26] : memref<10000x128xf32, #tpu.memory_space<hbm>> -> memref<10000x128xf32, #tpu.memory_space<hbm>>
      tpu.enqueue_indirect_dma source(%dma_start3A_27 : memref<10000x128xf32, #tpu.memory_space<hbm>>) target(%arg8 : memref<128x128xf32, #tpu.memory_space<vmem>>) offsets(%dma_start3A_24 : memref<128xi32, #tpu.memory_space<vmem>>) semaphore(%arg11 : memref<!tpu.dma_semaphore, #tpu.memory_space<semaphore_mem>>)
      %dma_wait3A = arith.constant 0 : i32
      %dma_wait3A_28 = arith.constant 0 : i32
      %dma_wait3A_29 = tpu.memref_slice %arg5[%dma_wait3A, %dma_wait3A_28] : memref<2x128xi32, #tpu.memory_space<vmem>> -> memref<1x128xi32, #tpu.memory_space<vmem>>
      %dma_wait3A_30 = tpu.memref_squeeze %dma_wait3A_29 : memref<1x128xi32, #tpu.memory_space<vmem>> -> memref<128xi32, #tpu.memory_space<vmem>>
      %dma_wait3A_31 = arith.constant 0 : i32
      %dma_wait3A_32 = arith.constant 0 : i32
      %dma_wait3A_33 = tpu.memref_slice %arg2[%dma_wait3A_31, %dma_wait3A_32] : memref<10000x128xf32, #tpu.memory_space<hbm>> -> memref<10000x128xf32, #tpu.memory_space<hbm>>
      tpu.wait_indirect_dma semaphore(%arg11 : memref<!tpu.dma_semaphore, #tpu.memory_space<semaphore_mem>>) src(%dma_wait3A_33 : memref<10000x128xf32, #tpu.memory_space<hbm>>) dst(%arg8 : memref<128x128xf32, #tpu.memory_space<vmem>>)
      %run_scoped3A = arith.constant 1 : i32
      "tpu.region"() ({
        %run_scoped3A_34 = tpu.sem_alloc : memref<!tpu.dma_semaphore, #tpu.memory_space<semaphore_mem>>
        %dma_start3A_35 = arith.constant 0 : i32
        %dma_start3A_36 = tpu.memref_slice %arg5[%run_scoped3A, %dma_start3A_35] : memref<2x128xi32, #tpu.memory_space<vmem>> -> memref<1x128xi32, #tpu.memory_space<vmem>>
        %dma_start3A_37 = tpu.memref_squeeze %dma_start3A_36 : memref<1x128xi32, #tpu.memory_space<vmem>> -> memref<128xi32, #tpu.memory_space<vmem>>
        %dma_start3A_38 = arith.constant 0 : i32
        %dma_start3A_39 = arith.constant 0 : i32
        %dma_start3A_40 = tpu.memref_slice %arg14[%dma_start3A_38, %dma_start3A_39] : memref<10000x128xf32, #tpu.memory_space<vmem_shared>> -> memref<10000x128xf32, #tpu.memory_space<vmem_shared>>
        tpu.enqueue_indirect_dma source(%arg8 : memref<128x128xf32, #tpu.memory_space<vmem>>) target(%dma_start3A_40 : memref<10000x128xf32, #tpu.memory_space<vmem_shared>>) offsets(%dma_start3A_37 : memref<128xi32, #tpu.memory_space<vmem>>) semaphore(%run_scoped3A_34 : memref<!tpu.dma_semaphore, #tpu.memory_space<semaphore_mem>>) {add = true}
        %dma_wait3A_41 = arith.constant 0 : i32
        %dma_wait3A_42 = tpu.memref_slice %arg5[%run_scoped3A, %dma_wait3A_41] : memref<2x128xi32, #tpu.memory_space<vmem>> -> memref<1x128xi32, #tpu.memory_space<vmem>>
        %dma_wait3A_43 = tpu.memref_squeeze %dma_wait3A_42 : memref<1x128xi32, #tpu.memory_space<vmem>> -> memref<128xi32, #tpu.memory_space<vmem>>
        %dma_wait3A_44 = arith.constant 0 : i32
        %dma_wait3A_45 = arith.constant 0 : i32
        %dma_wait3A_46 = tpu.memref_slice %arg14[%dma_wait3A_44, %dma_wait3A_45] : memref<10000x128xf32, #tpu.memory_space<vmem_shared>> -> memref<10000x128xf32, #tpu.memory_space<vmem_shared>>
        tpu.wait_indirect_dma semaphore(%run_scoped3A_34 : memref<!tpu.dma_semaphore, #tpu.memory_space<semaphore_mem>>) src(%arg8 : memref<128x128xf32, #tpu.memory_space<vmem>>) dst(%dma_wait3A_46 : memref<10000x128xf32, #tpu.memory_space<vmem_shared>>)
        tpu.yield
      }) : () -> ()
    } else {
    }
    %barrier3A_14 = arith.constant 0 : index
    tpu.barrier barrier_id(%barrier3A_14)
    %scan3A_15 = arith.constant 0 : i32
    %scan3A_16 = arith.constant 50 : i32
    %scan3A_17 = arith.addi %scan3A_15, %scan3A_16 : i32
    %scan3A_18 = arith.constant 1 : i32
    scf.for %scan3A_20 = %scan3A_15 to %scan3A_17 step %scan3A_18  : i32 {
      %mul3A_21 = arith.constant 1 : i32
      %mul3A_22 = arith.muli %scan3A_20, %mul3A_21 : i32
      %add3A_23 = arith.constant 0 : i32
      %add3A_24 = arith.addi %add3A_23, %mul3A_22 : i32
      %jit3A = arith.constant 16 : i32
      %eq3A = arith.constant 0 : i32
      %eq3A_25 = arith.cmpi eq, %jit3A, %eq3A : i32
      %jit3A_26 = arith.constant 1 : i32
      %select_n3A = arith.select %eq3A_25, %jit3A_26, %jit3A : i32
      %rem3A = arith.remsi %add3A_24, %select_n3A : i32
      %ne3A = arith.constant 0 : i32
      %ne3A_27 = arith.cmpi ne, %rem3A, %ne3A : i32
      %lt3A_28 = arith.constant 0 : i32
      %lt3A_29 = arith.cmpi slt, %rem3A, %lt3A_28 : i32
      %lt3A_30 = arith.constant 0 : i32
      %lt3A_31 = arith.cmpi slt, %select_n3A, %lt3A_30 : i32
      %ne3A_32 = arith.xori %lt3A_29, %lt3A_31 : i1
      %and3A = arith.andi %ne3A_32, %ne3A_27 : i1
      %add3A_33 = arith.addi %rem3A, %select_n3A : i32
      %select_n3A_34 = arith.select %and3A, %add3A_33, %rem3A : i32
      %eq3A_35 = arith.cmpi eq, %select_n3A_34, %arg1 : i32
      %convert_element_type3A_36 = arith.extui %eq3A_35 : i1 to i32
      %cond3A_37 = arith.constant 0 : i32
      %cond3A_38 = arith.cmpi ne, %convert_element_type3A_36, %cond3A_37 : i32
      scf.if %cond3A_38 {
        %mul3A_39 = arith.constant 200 : i32
        %mul3A_40 = arith.muli %add3A_24, %mul3A_39 : i32
        %mul3A_41 = arith.constant 200 : i32
        %mul3A_42 = arith.muli %add3A_24, %mul3A_41 : i32
        "tpu.region"() ({
          %run_scoped3A = tpu.sem_alloc : memref<!tpu.dma_semaphore, #tpu.memory_space<semaphore_mem>>
          %dma_start3A = arith.constant 0 : i32
          %dma_start3A_43 = tpu.memref_slice %arg4[%arg0, %mul3A_42, %dma_start3A] : memref<2x10000x128xf32, #tpu.memory_space<hbm>> -> memref<1x200x128xf32, #tpu.memory_space<hbm>>
          %dma_start3A_44 = tpu.memref_squeeze %dma_start3A_43 : memref<1x200x128xf32, #tpu.memory_space<hbm>> -> memref<200x128xf32, #tpu.memory_space<hbm>>
          %dma_start3A_45 = arith.constant 0 : i32
          %dma_start3A_46 = tpu.memref_slice %arg14[%mul3A_40, %dma_start3A_45] : memref<10000x128xf32, #tpu.memory_space<vmem_shared>> -> memref<200x128xf32, #tpu.memory_space<vmem_shared>>
          tpu.enqueue_dma source(%dma_start3A_46 : memref<200x128xf32, #tpu.memory_space<vmem_shared>>) target(%dma_start3A_44 : memref<200x128xf32, #tpu.memory_space<hbm>>) target_semaphore(%run_scoped3A : memref<!tpu.dma_semaphore, #tpu.memory_space<semaphore_mem>>)
          %dma_wait3A = arith.constant 0 : i32
          %dma_wait3A_47 = tpu.memref_slice %arg4[%arg0, %mul3A_42, %dma_wait3A] : memref<2x10000x128xf32, #tpu.memory_space<hbm>> -> memref<1x200x128xf32, #tpu.memory_space<hbm>>
          %dma_wait3A_48 = tpu.memref_squeeze %dma_wait3A_47 : memref<1x200x128xf32, #tpu.memory_space<hbm>> -> memref<200x128xf32, #tpu.memory_space<hbm>>
          %dma_wait3A_49 = arith.constant 0 : i32
          %dma_wait3A_50 = tpu.memref_slice %arg14[%mul3A_40, %dma_wait3A_49] : memref<10000x128xf32, #tpu.memory_space<vmem_shared>> -> memref<200x128xf32, #tpu.memory_space<vmem_shared>>
          tpu.wait_dma2 semaphore(%run_scoped3A : memref<!tpu.dma_semaphore, #tpu.memory_space<semaphore_mem>>) src(%dma_wait3A_50 : memref<200x128xf32, #tpu.memory_space<vmem_shared>>) dst(%dma_wait3A_48 : memref<200x128xf32, #tpu.memory_space<hbm>>)
          tpu.yield
        }) : () -> ()
      } else {
      }
    }
    %scan3A_19 = arith.constant 50 : i32
    return
  }
}

#map = affine_map<(d0, d1) -> (0)>
#map1 = affine_map<(d0, d1) -> (0, 0, 0)>
module attributes {stable_mosaic.version = 14 : i64} {
  func.func @_degree_kernel(%arg0: i32, %arg1: i32, %arg2: memref<320000xi32, #tpu.memory_space<hbm>>, %arg3: memref<2x10000x16xf32, #tpu.memory_space<hbm>>, %arg4: memref<128xi32, #tpu.memory_space<vmem>>, %arg5: memref<16xi32, #tpu.memory_space<vmem>>, %arg6: memref<128x16xf32, #tpu.memory_space<vmem>>, %arg7: memref<200x16xf32, #tpu.memory_space<vmem>>, %arg8: memref<10000x16xf32, #tpu.memory_space<vmem_shared>>) attributes {dimension_semantics = [#tpu.dimension_semantics<core_parallel>, #tpu.dimension_semantics<subcore_parallel>], iteration_bounds = array<i64: 2, 16>, scalar_prefetch = 0 : i64, scratch_operands = 5 : i64, tpu.core_type = #tpu.core_type<sc_vector_subcore>, window_params = [{transform_indices = #map}, {transform_indices = #map1}]} {
    %broadcast_in_dim3A = arith.constant 1.000000e+00 : f32
    %broadcast_in_dim3A_0 = vector.broadcast %broadcast_in_dim3A : f32 to vector<16xf32>
    %broadcast_in_dim3A_1 = arith.constant 0.000000e+00 : f32
    %broadcast_in_dim3A_2 = vector.broadcast %broadcast_in_dim3A_1 : f32 to vector<16xf32>
    %scan3A = arith.constant 0 : i32
    %scan3A_3 = arith.constant 128 : i32
    %scan3A_4 = arith.addi %scan3A, %scan3A_3 : i32
    %scan3A_5 = arith.constant 1 : i32
    scf.for %scan3A_33 = %scan3A to %scan3A_4 step %scan3A_5  : i32 {
      %mul3A_34 = arith.constant 1 : i32
      %mul3A_35 = arith.muli %scan3A_33, %mul3A_34 : i32
      %add3A_36 = arith.constant 0 : i32
      %add3A_37 = arith.addi %add3A_36, %mul3A_35 : i32
      %swap3A = arith.index_cast %add3A_37 : i32 to index
      %swap3A_38 = arith.constant 0 : index
      %swap3A_39 = tpu.vector_load %arg6[%swap3A, %swap3A_38] {strides = array<i32>} : memref<128x16xf32, #tpu.memory_space<vmem>>, vector<1x16xf32>,
      %swap3A_40 = vector.shape_cast %swap3A_39 : vector<1x16xf32> to vector<16xf32>
      %swap3A_41 = vector.shape_cast %broadcast_in_dim3A_0 : vector<16xf32> to vector<1x16xf32>
      tpu.vector_store %arg6[%swap3A, %swap3A_38], %swap3A_41 {strides = array<i32>} : memref<128x16xf32, #tpu.memory_space<vmem>>, vector<1x16xf32>,
    }
    %scan3A_6 = arith.constant 128 : i32
    %scan3A_7 = arith.constant 0 : i32
    %scan3A_8 = arith.constant 200 : i32
    %scan3A_9 = arith.addi %scan3A_7, %scan3A_8 : i32
    %scan3A_10 = arith.constant 1 : i32
    scf.for %scan3A_33 = %scan3A_7 to %scan3A_9 step %scan3A_10  : i32 {
      %mul3A_34 = arith.constant 1 : i32
      %mul3A_35 = arith.muli %scan3A_33, %mul3A_34 : i32
      %add3A_36 = arith.constant 0 : i32
      %add3A_37 = arith.addi %add3A_36, %mul3A_35 : i32
      %swap3A = arith.index_cast %add3A_37 : i32 to index
      %swap3A_38 = arith.constant 0 : index
      %swap3A_39 = tpu.vector_load %arg7[%swap3A, %swap3A_38] {strides = array<i32>} : memref<200x16xf32, #tpu.memory_space<vmem>>, vector<1x16xf32>,
      %swap3A_40 = vector.shape_cast %swap3A_39 : vector<1x16xf32> to vector<16xf32>
      %swap3A_41 = vector.shape_cast %broadcast_in_dim3A_2 : vector<16xf32> to vector<1x16xf32>
      tpu.vector_store %arg7[%swap3A, %swap3A_38], %swap3A_41 {strides = array<i32>} : memref<200x16xf32, #tpu.memory_space<vmem>>, vector<1x16xf32>,
    }
    %scan3A_11 = arith.constant 200 : i32
    %scan3A_12 = arith.constant 0 : i32
    %scan3A_13 = arith.constant 50 : i32
    %scan3A_14 = arith.addi %scan3A_12, %scan3A_13 : i32
    %scan3A_15 = arith.constant 1 : i32
    scf.for %scan3A_33 = %scan3A_12 to %scan3A_14 step %scan3A_15  : i32 {
      %mul3A_34 = arith.constant 1 : i32
      %mul3A_35 = arith.muli %scan3A_33, %mul3A_34 : i32
      %add3A_36 = arith.constant 0 : i32
      %add3A_37 = arith.addi %add3A_36, %mul3A_35 : i32
      %jit3A = arith.constant 16 : i32
      %eq3A = arith.constant 0 : i32
      %eq3A_38 = arith.cmpi eq, %jit3A, %eq3A : i32
      %jit3A_39 = arith.constant 1 : i32
      %select_n3A = arith.select %eq3A_38, %jit3A_39, %jit3A : i32
      %rem3A = arith.remsi %add3A_37, %select_n3A : i32
      %ne3A = arith.constant 0 : i32
      %ne3A_40 = arith.cmpi ne, %rem3A, %ne3A : i32
      %lt3A = arith.constant 0 : i32
      %lt3A_41 = arith.cmpi slt, %rem3A, %lt3A : i32
      %lt3A_42 = arith.constant 0 : i32
      %lt3A_43 = arith.cmpi slt, %select_n3A, %lt3A_42 : i32
      %ne3A_44 = arith.xori %lt3A_41, %lt3A_43 : i1
      %and3A = arith.andi %ne3A_44, %ne3A_40 : i1
      %add3A_45 = arith.addi %rem3A, %select_n3A : i32
      %select_n3A_46 = arith.select %and3A, %add3A_45, %rem3A : i32
      %eq3A_47 = arith.cmpi eq, %select_n3A_46, %arg1 : i32
      %convert_element_type3A = arith.extui %eq3A_47 : i1 to i32
      %cond3A = arith.constant 0 : i32
      %cond3A_48 = arith.cmpi ne, %convert_element_type3A, %cond3A : i32
      scf.if %cond3A_48 {
        %mul3A_49 = arith.constant 200 : i32
        %mul3A_50 = arith.muli %add3A_37, %mul3A_49 : i32
        "tpu.region"() ({
          %run_scoped3A = tpu.sem_alloc : memref<!tpu.dma_semaphore, #tpu.memory_space<semaphore_mem>>
          %dma_start3A = arith.constant 0 : i32
          %dma_start3A_51 = tpu.memref_slice %arg8[%mul3A_50, %dma_start3A] : memref<10000x16xf32, #tpu.memory_space<vmem_shared>> -> memref<200x16xf32, #tpu.memory_space<vmem_shared>>
          %dma_start3A_52 = arith.constant 0 : i32
          %dma_start3A_53 = tpu.memref_slice %arg8[%mul3A_50, %dma_start3A_52] : memref<10000x16xf32, #tpu.memory_space<vmem_shared>> -> memref<200x16xf32, #tpu.memory_space<vmem_shared>>
          tpu.enqueue_dma source(%arg7 : memref<200x16xf32, #tpu.memory_space<vmem>>) target(%dma_start3A_53 : memref<200x16xf32, #tpu.memory_space<vmem_shared>>) target_semaphore(%run_scoped3A : memref<!tpu.dma_semaphore, #tpu.memory_space<semaphore_mem>>)
          %dma_wait3A = arith.constant 0 : i32
          %dma_wait3A_54 = tpu.memref_slice %arg8[%mul3A_50, %dma_wait3A] : memref<10000x16xf32, #tpu.memory_space<vmem_shared>> -> memref<200x16xf32, #tpu.memory_space<vmem_shared>>
          %dma_wait3A_55 = arith.constant 0 : i32
          %dma_wait3A_56 = tpu.memref_slice %arg8[%mul3A_50, %dma_wait3A_55] : memref<10000x16xf32, #tpu.memory_space<vmem_shared>> -> memref<200x16xf32, #tpu.memory_space<vmem_shared>>
          tpu.wait_dma2 semaphore(%run_scoped3A : memref<!tpu.dma_semaphore, #tpu.memory_space<semaphore_mem>>) src(%arg7 : memref<200x16xf32, #tpu.memory_space<vmem>>) dst(%dma_wait3A_56 : memref<200x16xf32, #tpu.memory_space<vmem_shared>>)
          tpu.yield
        }) : () -> ()
      } else {
      }
    }
    %scan3A_16 = arith.constant 50 : i32
    %barrier3A = arith.constant 0 : index
    tpu.barrier barrier_id(%barrier3A)
    %mul3A = arith.constant 16 : i32
    %mul3A_17 = arith.muli %arg0, %mul3A : i32
    %add3A = arith.addi %mul3A_17, %arg1 : i32
    %mul3A_18 = arith.constant 10000 : i32
    %mul3A_19 = arith.muli %add3A, %mul3A_18 : i32
    %scan3A_20 = arith.constant 0 : i32
    %scan3A_21 = arith.constant 78 : i32
    %scan3A_22 = arith.addi %scan3A_20, %scan3A_21 : i32
    %scan3A_23 = arith.constant 1 : i32
    scf.for %scan3A_33 = %scan3A_20 to %scan3A_22 step %scan3A_23  : i32 {
      %mul3A_34 = arith.constant 1 : i32
      %mul3A_35 = arith.muli %scan3A_33, %mul3A_34 : i32
      %add3A_36 = arith.constant 0 : i32
      %add3A_37 = arith.addi %add3A_36, %mul3A_35 : i32
      %mul3A_38 = arith.constant 128 : i32
      %mul3A_39 = arith.muli %add3A_37, %mul3A_38 : i32
      %add3A_40 = arith.addi %mul3A_19, %mul3A_39 : i32
      "tpu.region"() ({
        %run_scoped3A = tpu.sem_alloc : memref<!tpu.dma_semaphore, #tpu.memory_space<semaphore_mem>>
        %dma_start3A = tpu.memref_slice %arg2[%add3A_40] : memref<320000xi32, #tpu.memory_space<hbm>> -> memref<128xi32, #tpu.memory_space<hbm>>
        %dma_start3A_41 = tpu.memref_slice %arg2[%add3A_40] : memref<320000xi32, #tpu.memory_space<hbm>> -> memref<128xi32, #tpu.memory_space<hbm>>
        tpu.enqueue_dma source(%dma_start3A_41 : memref<128xi32, #tpu.memory_space<hbm>>) target(%arg4 : memref<128xi32, #tpu.memory_space<vmem>>) target_semaphore(%run_scoped3A : memref<!tpu.dma_semaphore, #tpu.memory_space<semaphore_mem>>)
        %dma_wait3A = tpu.memref_slice %arg2[%add3A_40] : memref<320000xi32, #tpu.memory_space<hbm>> -> memref<128xi32, #tpu.memory_space<hbm>>
        %dma_wait3A_42 = tpu.memref_slice %arg2[%add3A_40] : memref<320000xi32, #tpu.memory_space<hbm>> -> memref<128xi32, #tpu.memory_space<hbm>>
        tpu.wait_dma2 semaphore(%run_scoped3A : memref<!tpu.dma_semaphore, #tpu.memory_space<semaphore_mem>>) src(%dma_wait3A_42 : memref<128xi32, #tpu.memory_space<hbm>>) dst(%arg4 : memref<128xi32, #tpu.memory_space<vmem>>)
        tpu.yield
      }) : () -> ()
      "tpu.region"() ({
        %run_scoped3A = tpu.sem_alloc : memref<!tpu.dma_semaphore, #tpu.memory_space<semaphore_mem>>
        %dma_start3A = arith.constant 0 : i32
        %dma_start3A_41 = arith.constant 0 : i32
        %dma_start3A_42 = tpu.memref_slice %arg8[%dma_start3A, %dma_start3A_41] : memref<10000x16xf32, #tpu.memory_space<vmem_shared>> -> memref<10000x16xf32, #tpu.memory_space<vmem_shared>>
        tpu.enqueue_indirect_dma source(%arg6 : memref<128x16xf32, #tpu.memory_space<vmem>>) target(%dma_start3A_42 : memref<10000x16xf32, #tpu.memory_space<vmem_shared>>) offsets(%arg4 : memref<128xi32, #tpu.memory_space<vmem>>) semaphore(%run_scoped3A : memref<!tpu.dma_semaphore, #tpu.memory_space<semaphore_mem>>) {add = true}
        %dma_wait3A = arith.constant 0 : i32
        %dma_wait3A_43 = arith.constant 0 : i32
        %dma_wait3A_44 = tpu.memref_slice %arg8[%dma_wait3A, %dma_wait3A_43] : memref<10000x16xf32, #tpu.memory_space<vmem_shared>> -> memref<10000x16xf32, #tpu.memory_space<vmem_shared>>
        tpu.wait_indirect_dma semaphore(%run_scoped3A : memref<!tpu.dma_semaphore, #tpu.memory_space<semaphore_mem>>) src(%arg6 : memref<128x16xf32, #tpu.memory_space<vmem>>) dst(%dma_wait3A_44 : memref<10000x16xf32, #tpu.memory_space<vmem_shared>>)
        tpu.yield
      }) : () -> ()
    }
    %scan3A_24 = arith.constant 78 : i32
    %add3A_25 = arith.constant 9984 : i32
    %add3A_26 = arith.addi %mul3A_19, %add3A_25 : i32
    "tpu.region"() ({
      %run_scoped3A = tpu.sem_alloc : memref<!tpu.dma_semaphore, #tpu.memory_space<semaphore_mem>>
      %dma_start3A = tpu.memref_slice %arg2[%add3A_26] : memref<320000xi32, #tpu.memory_space<hbm>> -> memref<16xi32, #tpu.memory_space<hbm>>
      %dma_start3A_33 = tpu.memref_slice %arg2[%add3A_26] : memref<320000xi32, #tpu.memory_space<hbm>> -> memref<16xi32, #tpu.memory_space<hbm>>
      tpu.enqueue_dma source(%dma_start3A_33 : memref<16xi32, #tpu.memory_space<hbm>>) target(%arg5 : memref<16xi32, #tpu.memory_space<vmem>>) target_semaphore(%run_scoped3A : memref<!tpu.dma_semaphore, #tpu.memory_space<semaphore_mem>>)
      %dma_wait3A = tpu.memref_slice %arg2[%add3A_26] : memref<320000xi32, #tpu.memory_space<hbm>> -> memref<16xi32, #tpu.memory_space<hbm>>
      %dma_wait3A_34 = tpu.memref_slice %arg2[%add3A_26] : memref<320000xi32, #tpu.memory_space<hbm>> -> memref<16xi32, #tpu.memory_space<hbm>>
      tpu.wait_dma2 semaphore(%run_scoped3A : memref<!tpu.dma_semaphore, #tpu.memory_space<semaphore_mem>>) src(%dma_wait3A_34 : memref<16xi32, #tpu.memory_space<hbm>>) dst(%arg5 : memref<16xi32, #tpu.memory_space<vmem>>)
      tpu.yield
    }) : () -> ()
    "tpu.region"() ({
      %run_scoped3A = tpu.sem_alloc : memref<!tpu.dma_semaphore, #tpu.memory_space<semaphore_mem>>
      %dma_start3A = arith.constant 0 : i32
      %dma_start3A_33 = arith.constant 0 : i32
      %dma_start3A_34 = tpu.memref_slice %arg6[%dma_start3A, %dma_start3A_33] : memref<128x16xf32, #tpu.memory_space<vmem>> -> memref<16x16xf32, #tpu.memory_space<vmem>>
      %dma_start3A_35 = arith.constant 0 : i32
      %dma_start3A_36 = arith.constant 0 : i32
      %dma_start3A_37 = tpu.memref_slice %arg8[%dma_start3A_35, %dma_start3A_36] : memref<10000x16xf32, #tpu.memory_space<vmem_shared>> -> memref<10000x16xf32, #tpu.memory_space<vmem_shared>>
      tpu.enqueue_indirect_dma source(%dma_start3A_34 : memref<16x16xf32, #tpu.memory_space<vmem>>) target(%dma_start3A_37 : memref<10000x16xf32, #tpu.memory_space<vmem_shared>>) offsets(%arg5 : memref<16xi32, #tpu.memory_space<vmem>>) semaphore(%run_scoped3A : memref<!tpu.dma_semaphore, #tpu.memory_space<semaphore_mem>>) {add = true}
      %dma_wait3A = arith.constant 0 : i32
      %dma_wait3A_38 = arith.constant 0 : i32
      %dma_wait3A_39 = tpu.memref_slice %arg6[%dma_wait3A, %dma_wait3A_38] : memref<128x16xf32, #tpu.memory_space<vmem>> -> memref<16x16xf32, #tpu.memory_space<vmem>>
      %dma_wait3A_40 = arith.constant 0 : i32
      %dma_wait3A_41 = arith.constant 0 : i32
      %dma_wait3A_42 = tpu.memref_slice %arg8[%dma_wait3A_40, %dma_wait3A_41] : memref<10000x16xf32, #tpu.memory_space<vmem_shared>> -> memref<10000x16xf32, #tpu.memory_space<vmem_shared>>
      tpu.wait_indirect_dma semaphore(%run_scoped3A : memref<!tpu.dma_semaphore, #tpu.memory_space<semaphore_mem>>) src(%dma_wait3A_39 : memref<16x16xf32, #tpu.memory_space<vmem>>) dst(%dma_wait3A_42 : memref<10000x16xf32, #tpu.memory_space<vmem_shared>>)
      tpu.yield
    }) : () -> ()
    %barrier3A_27 = arith.constant 0 : index
    tpu.barrier barrier_id(%barrier3A_27)
    %scan3A_28 = arith.constant 0 : i32
    %scan3A_29 = arith.constant 50 : i32
    %scan3A_30 = arith.addi %scan3A_28, %scan3A_29 : i32
    %scan3A_31 = arith.constant 1 : i32
    scf.for %scan3A_33 = %scan3A_28 to %scan3A_30 step %scan3A_31  : i32 {
      %mul3A_34 = arith.constant 1 : i32
      %mul3A_35 = arith.muli %scan3A_33, %mul3A_34 : i32
      %add3A_36 = arith.constant 0 : i32
      %add3A_37 = arith.addi %add3A_36, %mul3A_35 : i32
      %jit3A = arith.constant 16 : i32
      %eq3A = arith.constant 0 : i32
      %eq3A_38 = arith.cmpi eq, %jit3A, %eq3A : i32
      %jit3A_39 = arith.constant 1 : i32
      %select_n3A = arith.select %eq3A_38, %jit3A_39, %jit3A : i32
      %rem3A = arith.remsi %add3A_37, %select_n3A : i32
      %ne3A = arith.constant 0 : i32
      %ne3A_40 = arith.cmpi ne, %rem3A, %ne3A : i32
      %lt3A = arith.constant 0 : i32
      %lt3A_41 = arith.cmpi slt, %rem3A, %lt3A : i32
      %lt3A_42 = arith.constant 0 : i32
      %lt3A_43 = arith.cmpi slt, %select_n3A, %lt3A_42 : i32
      %ne3A_44 = arith.xori %lt3A_41, %lt3A_43 : i1
      %and3A = arith.andi %ne3A_44, %ne3A_40 : i1
      %add3A_45 = arith.addi %rem3A, %select_n3A : i32
      %select_n3A_46 = arith.select %and3A, %add3A_45, %rem3A : i32
      %eq3A_47 = arith.cmpi eq, %select_n3A_46, %arg1 : i32
      %convert_element_type3A = arith.extui %eq3A_47 : i1 to i32
      %cond3A = arith.constant 0 : i32
      %cond3A_48 = arith.cmpi ne, %convert_element_type3A, %cond3A : i32
      scf.if %cond3A_48 {
        %mul3A_49 = arith.constant 200 : i32
        %mul3A_50 = arith.muli %add3A_37, %mul3A_49 : i32
        %mul3A_51 = arith.constant 200 : i32
        %mul3A_52 = arith.muli %add3A_37, %mul3A_51 : i32
        "tpu.region"() ({
          %run_scoped3A = tpu.sem_alloc : memref<!tpu.dma_semaphore, #tpu.memory_space<semaphore_mem>>
          %dma_start3A = arith.constant 0 : i32
          %dma_start3A_53 = tpu.memref_slice %arg3[%arg0, %mul3A_52, %dma_start3A] : memref<2x10000x16xf32, #tpu.memory_space<hbm>> -> memref<1x200x16xf32, #tpu.memory_space<hbm>>
          %dma_start3A_54 = tpu.memref_squeeze %dma_start3A_53 : memref<1x200x16xf32, #tpu.memory_space<hbm>> -> memref<200x16xf32, #tpu.memory_space<hbm>>
          %dma_start3A_55 = arith.constant 0 : i32
          %dma_start3A_56 = tpu.memref_slice %arg8[%mul3A_50, %dma_start3A_55] : memref<10000x16xf32, #tpu.memory_space<vmem_shared>> -> memref<200x16xf32, #tpu.memory_space<vmem_shared>>
          tpu.enqueue_dma source(%dma_start3A_56 : memref<200x16xf32, #tpu.memory_space<vmem_shared>>) target(%dma_start3A_54 : memref<200x16xf32, #tpu.memory_space<hbm>>) target_semaphore(%run_scoped3A : memref<!tpu.dma_semaphore, #tpu.memory_space<semaphore_mem>>)
          %dma_wait3A = arith.constant 0 : i32
          %dma_wait3A_57 = tpu.memref_slice %arg3[%arg0, %mul3A_52, %dma_wait3A] : memref<2x10000x16xf32, #tpu.memory_space<hbm>> -> memref<1x200x16xf32, #tpu.memory_space<hbm>>
          %dma_wait3A_58 = tpu.memref_squeeze %dma_wait3A_57 : memref<1x200x16xf32, #tpu.memory_space<hbm>> -> memref<200x16xf32, #tpu.memory_space<hbm>>
          %dma_wait3A_59 = arith.constant 0 : i32
          %dma_wait3A_60 = tpu.memref_slice %arg8[%mul3A_50, %dma_wait3A_59] : memref<10000x16xf32, #tpu.memory_space<vmem_shared>> -> memref<200x16xf32, #tpu.memory_space<vmem_shared>>
          tpu.wait_dma2 semaphore(%run_scoped3A : memref<!tpu.dma_semaphore, #tpu.memory_space<semaphore_mem>>) src(%dma_wait3A_60 : memref<200x16xf32, #tpu.memory_space<vmem_shared>>) dst(%dma_wait3A_58 : memref<200x16xf32, #tpu.memory_space<hbm>>)
          tpu.yield
        }) : () -> ()
      } else {
      }
    }
    %scan3A_32 = arith.constant 50 : i32
    return
  }
}

#map = affine_map<(d0, d1) -> (0, 0)>
#map1 = affine_map<(d0, d1) -> (0, 0, 0)>
module attributes {stable_mosaic.version = 14 : i64} {
  func.func @_aggregate_kernel(%arg0: i32, %arg1: i32, %arg2: memref<10000x128xf32, #tpu.memory_space<hbm>>, %arg3: memref<2500x2x128xi32, #tpu.memory_space<hbm>>, %arg4: memref<2x10000x128xf32, #tpu.memory_space<hbm>>, %arg5: memref<2x128xi32, #tpu.memory_space<vmem>>, %arg6: memref<2x128xi32, #tpu.memory_space<vmem>>, %arg7: memref<2x128xi32, #tpu.memory_space<vmem>>, %arg8: memref<128x128xf32, #tpu.memory_space<vmem>>, %arg9: memref<128x128xf32, #tpu.memory_space<vmem>>, %arg10: memref<128x128xf32, #tpu.memory_space<vmem>>, %arg11: memref<!tpu.dma_semaphore, #tpu.memory_space<semaphore_mem>>, %arg12: memref<!tpu.dma_semaphore, #tpu.memory_space<semaphore_mem>>, %arg13: memref<!tpu.dma_semaphore, #tpu.memory_space<semaphore_mem>>, %arg14: memref<10000x128xf32, #tpu.memory_space<vmem_shared>>) attributes {dimension_semantics = [#tpu.dimension_semantics<core_parallel>, #tpu.dimension_semantics<subcore_parallel>], iteration_bounds = array<i64: 2, 16>, scalar_prefetch = 0 : i64, scratch_operands = 10 : i64, tpu.core_type = #tpu.core_type<sc_vector_subcore>, window_params = [{transform_indices = #map}, {transform_indices = #map1}, {transform_indices = #map1}]} {
    %mul3A = arith.constant 16 : i32
    %mul3A_0 = arith.muli %arg0, %mul3A : i32
    %add3A = arith.addi %mul3A_0, %arg1 : i32
    %scan3A = arith.constant 0 : i32
    %scan3A_1 = arith.constant 50 : i32
    %scan3A_2 = arith.addi %scan3A, %scan3A_1 : i32
    %scan3A_3 = arith.constant 1 : i32
    scf.for %scan3A_20 = %scan3A to %scan3A_2 step %scan3A_3  : i32 {
      %mul3A_21 = arith.constant 1 : i32
      %mul3A_22 = arith.muli %scan3A_20, %mul3A_21 : i32
      %add3A_23 = arith.constant 0 : i32
      %add3A_24 = arith.addi %add3A_23, %mul3A_22 : i32
      %jit3A = arith.constant 16 : i32
      %eq3A = arith.constant 0 : i32
      %eq3A_25 = arith.cmpi eq, %jit3A, %eq3A : i32
      %jit3A_26 = arith.constant 1 : i32
      %select_n3A = arith.select %eq3A_25, %jit3A_26, %jit3A : i32
      %rem3A = arith.remsi %add3A_24, %select_n3A : i32
      %ne3A = arith.constant 0 : i32
      %ne3A_27 = arith.cmpi ne, %rem3A, %ne3A : i32
      %lt3A_28 = arith.constant 0 : i32
      %lt3A_29 = arith.cmpi slt, %rem3A, %lt3A_28 : i32
      %lt3A_30 = arith.constant 0 : i32
      %lt3A_31 = arith.cmpi slt, %select_n3A, %lt3A_30 : i32
      %ne3A_32 = arith.xori %lt3A_29, %lt3A_31 : i1
      %and3A = arith.andi %ne3A_32, %ne3A_27 : i1
      %add3A_33 = arith.addi %rem3A, %select_n3A : i32
      %select_n3A_34 = arith.select %and3A, %add3A_33, %rem3A : i32
      %eq3A_35 = arith.cmpi eq, %select_n3A_34, %arg1 : i32
      %convert_element_type3A_36 = arith.extui %eq3A_35 : i1 to i32
      %cond3A_37 = arith.constant 0 : i32
      %cond3A_38 = arith.cmpi ne, %convert_element_type3A_36, %cond3A_37 : i32
      scf.if %cond3A_38 {
        %mul3A_39 = arith.constant 200 : i32
        %mul3A_40 = arith.muli %add3A_24, %mul3A_39 : i32
        %mul3A_41 = arith.constant 200 : i32
        %mul3A_42 = arith.muli %add3A_24, %mul3A_41 : i32
        "tpu.region"() ({
          %run_scoped3A = tpu.sem_alloc : memref<!tpu.dma_semaphore, #tpu.memory_space<semaphore_mem>>
          %dma_start3A = arith.constant 0 : i32
          %dma_start3A_43 = tpu.memref_slice %arg14[%mul3A_42, %dma_start3A] : memref<10000x128xf32, #tpu.memory_space<vmem_shared>> -> memref<200x128xf32, #tpu.memory_space<vmem_shared>>
          %dma_start3A_44 = arith.constant 0 : i32
          %dma_start3A_45 = tpu.memref_slice %arg2[%mul3A_40, %dma_start3A_44] : memref<10000x128xf32, #tpu.memory_space<hbm>> -> memref<200x128xf32, #tpu.memory_space<hbm>>
          tpu.enqueue_dma source(%dma_start3A_45 : memref<200x128xf32, #tpu.memory_space<hbm>>) target(%dma_start3A_43 : memref<200x128xf32, #tpu.memory_space<vmem_shared>>) target_semaphore(%run_scoped3A : memref<!tpu.dma_semaphore, #tpu.memory_space<semaphore_mem>>)
          %dma_wait3A = arith.constant 0 : i32
          %dma_wait3A_46 = tpu.memref_slice %arg14[%mul3A_42, %dma_wait3A] : memref<10000x128xf32, #tpu.memory_space<vmem_shared>> -> memref<200x128xf32, #tpu.memory_space<vmem_shared>>
          %dma_wait3A_47 = arith.constant 0 : i32
          %dma_wait3A_48 = tpu.memref_slice %arg2[%mul3A_40, %dma_wait3A_47] : memref<10000x128xf32, #tpu.memory_space<hbm>> -> memref<200x128xf32, #tpu.memory_space<hbm>>
          tpu.wait_dma2 semaphore(%run_scoped3A : memref<!tpu.dma_semaphore, #tpu.memory_space<semaphore_mem>>) src(%dma_wait3A_48 : memref<200x128xf32, #tpu.memory_space<hbm>>) dst(%dma_wait3A_46 : memref<200x128xf32, #tpu.memory_space<vmem_shared>>)
          tpu.yield
        }) : () -> ()
      } else {
      }
    }
    %scan3A_4 = arith.constant 50 : i32
    %barrier3A = arith.constant 0 : index
    tpu.barrier barrier_id(%barrier3A)
    %mul3A_5 = arith.constant 78 : i32
    %mul3A_6 = arith.muli %add3A, %mul3A_5 : i32
    %scan3A_7 = arith.constant 0 : i32
    %scan3A_8 = arith.constant 26 : i32
    %scan3A_9 = arith.addi %scan3A_7, %scan3A_8 : i32
    %scan3A_10 = arith.constant 1 : i32
    scf.for %scan3A_20 = %scan3A_7 to %scan3A_9 step %scan3A_10  : i32 {
      %mul3A_21 = arith.constant 1 : i32
      %mul3A_22 = arith.muli %scan3A_20, %mul3A_21 : i32
      %add3A_23 = arith.constant 0 : i32
      %add3A_24 = arith.addi %add3A_23, %mul3A_22 : i32
      %mul3A_25 = arith.constant 3 : i32
      %mul3A_26 = arith.muli %add3A_24, %mul3A_25 : i32
      %add3A_27 = arith.addi %mul3A_6, %mul3A_26 : i32
      %add3A_28 = arith.constant 0 : i32
      %add3A_29 = arith.addi %add3A_27, %add3A_28 : i32
      "tpu.region"() ({
        %run_scoped3A_76 = tpu.sem_alloc : memref<!tpu.dma_semaphore, #tpu.memory_space<semaphore_mem>>
        %dma_start3A_77 = arith.constant 0 : i32
        %dma_start3A_78 = arith.constant 0 : i32
        %dma_start3A_79 = tpu.memref_slice %arg3[%add3A_29, %dma_start3A_77, %dma_start3A_78] : memref<2500x2x128xi32, #tpu.memory_space<hbm>> -> memref<1x2x128xi32, #tpu.memory_space<hbm>>
        %dma_start3A_80 = tpu.memref_squeeze %dma_start3A_79 : memref<1x2x128xi32, #tpu.memory_space<hbm>> -> memref<2x128xi32, #tpu.memory_space<hbm>>
        %dma_start3A_81 = arith.constant 0 : i32
        %dma_start3A_82 = arith.constant 0 : i32
        %dma_start3A_83 = tpu.memref_slice %arg3[%add3A_29, %dma_start3A_81, %dma_start3A_82] : memref<2500x2x128xi32, #tpu.memory_space<hbm>> -> memref<1x2x128xi32, #tpu.memory_space<hbm>>
        %dma_start3A_84 = tpu.memref_squeeze %dma_start3A_83 : memref<1x2x128xi32, #tpu.memory_space<hbm>> -> memref<2x128xi32, #tpu.memory_space<hbm>>
        tpu.enqueue_dma source(%dma_start3A_84 : memref<2x128xi32, #tpu.memory_space<hbm>>) target(%arg5 : memref<2x128xi32, #tpu.memory_space<vmem>>) target_semaphore(%run_scoped3A_76 : memref<!tpu.dma_semaphore, #tpu.memory_space<semaphore_mem>>)
        %dma_wait3A_85 = arith.constant 0 : i32
        %dma_wait3A_86 = arith.constant 0 : i32
        %dma_wait3A_87 = tpu.memref_slice %arg3[%add3A_29, %dma_wait3A_85, %dma_wait3A_86] : memref<2500x2x128xi32, #tpu.memory_space<hbm>> -> memref<1x2x128xi32, #tpu.memory_space<hbm>>
        %dma_wait3A_88 = tpu.memref_squeeze %dma_wait3A_87 : memref<1x2x128xi32, #tpu.memory_space<hbm>> -> memref<2x128xi32, #tpu.memory_space<hbm>>
        %dma_wait3A_89 = arith.constant 0 : i32
        %dma_wait3A_90 = arith.constant 0 : i32
        %dma_wait3A_91 = tpu.memref_slice %arg3[%add3A_29, %dma_wait3A_89, %dma_wait3A_90] : memref<2500x2x128xi32, #tpu.memory_space<hbm>> -> memref<1x2x128xi32, #tpu.memory_space<hbm>>
        %dma_wait3A_92 = tpu.memref_squeeze %dma_wait3A_91 : memref<1x2x128xi32, #tpu.memory_space<hbm>> -> memref<2x128xi32, #tpu.memory_space<hbm>>
        tpu.wait_dma2 semaphore(%run_scoped3A_76 : memref<!tpu.dma_semaphore, #tpu.memory_space<semaphore_mem>>) src(%dma_wait3A_92 : memref<2x128xi32, #tpu.memory_space<hbm>>) dst(%arg5 : memref<2x128xi32, #tpu.memory_space<vmem>>)
        tpu.yield
      }) : () -> ()
      %dma_start3A = arith.constant 0 : i32
      %dma_start3A_30 = arith.constant 0 : i32
      %dma_start3A_31 = tpu.memref_slice %arg5[%dma_start3A, %dma_start3A_30] : memref<2x128xi32, #tpu.memory_space<vmem>> -> memref<1x128xi32, #tpu.memory_space<vmem>>
      %dma_start3A_32 = tpu.memref_squeeze %dma_start3A_31 : memref<1x128xi32, #tpu.memory_space<vmem>> -> memref<128xi32, #tpu.memory_space<vmem>>
      %dma_start3A_33 = arith.constant 0 : i32
      %dma_start3A_34 = arith.constant 0 : i32
      %dma_start3A_35 = tpu.memref_slice %arg2[%dma_start3A_33, %dma_start3A_34] : memref<10000x128xf32, #tpu.memory_space<hbm>> -> memref<10000x128xf32, #tpu.memory_space<hbm>>
      tpu.enqueue_indirect_dma source(%dma_start3A_35 : memref<10000x128xf32, #tpu.memory_space<hbm>>) target(%arg8 : memref<128x128xf32, #tpu.memory_space<vmem>>) offsets(%dma_start3A_32 : memref<128xi32, #tpu.memory_space<vmem>>) semaphore(%arg11 : memref<!tpu.dma_semaphore, #tpu.memory_space<semaphore_mem>>)
      %add3A_36 = arith.constant 1 : i32
      %add3A_37 = arith.addi %add3A_27, %add3A_36 : i32
      "tpu.region"() ({
        %run_scoped3A_76 = tpu.sem_alloc : memref<!tpu.dma_semaphore, #tpu.memory_space<semaphore_mem>>
        %dma_start3A_77 = arith.constant 0 : i32
        %dma_start3A_78 = arith.constant 0 : i32
        %dma_start3A_79 = tpu.memref_slice %arg3[%add3A_37, %dma_start3A_77, %dma_start3A_78] : memref<2500x2x128xi32, #tpu.memory_space<hbm>> -> memref<1x2x128xi32, #tpu.memory_space<hbm>>
        %dma_start3A_80 = tpu.memref_squeeze %dma_start3A_79 : memref<1x2x128xi32, #tpu.memory_space<hbm>> -> memref<2x128xi32, #tpu.memory_space<hbm>>
        %dma_start3A_81 = arith.constant 0 : i32
        %dma_start3A_82 = arith.constant 0 : i32
        %dma_start3A_83 = tpu.memref_slice %arg3[%add3A_37, %dma_start3A_81, %dma_start3A_82] : memref<2500x2x128xi32, #tpu.memory_space<hbm>> -> memref<1x2x128xi32, #tpu.memory_space<hbm>>
        %dma_start3A_84 = tpu.memref_squeeze %dma_start3A_83 : memref<1x2x128xi32, #tpu.memory_space<hbm>> -> memref<2x128xi32, #tpu.memory_space<hbm>>
        tpu.enqueue_dma source(%dma_start3A_84 : memref<2x128xi32, #tpu.memory_space<hbm>>) target(%arg6 : memref<2x128xi32, #tpu.memory_space<vmem>>) target_semaphore(%run_scoped3A_76 : memref<!tpu.dma_semaphore, #tpu.memory_space<semaphore_mem>>)
        %dma_wait3A_85 = arith.constant 0 : i32
        %dma_wait3A_86 = arith.constant 0 : i32
        %dma_wait3A_87 = tpu.memref_slice %arg3[%add3A_37, %dma_wait3A_85, %dma_wait3A_86] : memref<2500x2x128xi32, #tpu.memory_space<hbm>> -> memref<1x2x128xi32, #tpu.memory_space<hbm>>
        %dma_wait3A_88 = tpu.memref_squeeze %dma_wait3A_87 : memref<1x2x128xi32, #tpu.memory_space<hbm>> -> memref<2x128xi32, #tpu.memory_space<hbm>>
        %dma_wait3A_89 = arith.constant 0 : i32
        %dma_wait3A_90 = arith.constant 0 : i32
        %dma_wait3A_91 = tpu.memref_slice %arg3[%add3A_37, %dma_wait3A_89, %dma_wait3A_90] : memref<2500x2x128xi32, #tpu.memory_space<hbm>> -> memref<1x2x128xi32, #tpu.memory_space<hbm>>
        %dma_wait3A_92 = tpu.memref_squeeze %dma_wait3A_91 : memref<1x2x128xi32, #tpu.memory_space<hbm>> -> memref<2x128xi32, #tpu.memory_space<hbm>>
        tpu.wait_dma2 semaphore(%run_scoped3A_76 : memref<!tpu.dma_semaphore, #tpu.memory_space<semaphore_mem>>) src(%dma_wait3A_92 : memref<2x128xi32, #tpu.memory_space<hbm>>) dst(%arg6 : memref<2x128xi32, #tpu.memory_space<vmem>>)
        tpu.yield
      }) : () -> ()
      %dma_start3A_38 = arith.constant 0 : i32
      %dma_start3A_39 = arith.constant 0 : i32
      %dma_start3A_40 = tpu.memref_slice %arg6[%dma_start3A_38, %dma_start3A_39] : memref<2x128xi32, #tpu.memory_space<vmem>> -> memref<1x128xi32, #tpu.memory_space<vmem>>
      %dma_start3A_41 = tpu.memref_squeeze %dma_start3A_40 : memref<1x128xi32, #tpu.memory_space<vmem>> -> memref<128xi32, #tpu.memory_space<vmem>>
      %dma_start3A_42 = arith.constant 0 : i32
      %dma_start3A_43 = arith.constant 0 : i32
      %dma_start3A_44 = tpu.memref_slice %arg2[%dma_start3A_42, %dma_start3A_43] : memref<10000x128xf32, #tpu.memory_space<hbm>> -> memref<10000x128xf32, #tpu.memory_space<hbm>>
      tpu.enqueue_indirect_dma source(%dma_start3A_44 : memref<10000x128xf32, #tpu.memory_space<hbm>>) target(%arg9 : memref<128x128xf32, #tpu.memory_space<vmem>>) offsets(%dma_start3A_41 : memref<128xi32, #tpu.memory_space<vmem>>) semaphore(%arg12 : memref<!tpu.dma_semaphore, #tpu.memory_space<semaphore_mem>>)
      %add3A_45 = arith.constant 2 : i32
      %add3A_46 = arith.addi %add3A_27, %add3A_45 : i32
      "tpu.region"() ({
        %run_scoped3A_76 = tpu.sem_alloc : memref<!tpu.dma_semaphore, #tpu.memory_space<semaphore_mem>>
        %dma_start3A_77 = arith.constant 0 : i32
        %dma_start3A_78 = arith.constant 0 : i32
        %dma_start3A_79 = tpu.memref_slice %arg3[%add3A_46, %dma_start3A_77, %dma_start3A_78] : memref<2500x2x128xi32, #tpu.memory_space<hbm>> -> memref<1x2x128xi32, #tpu.memory_space<hbm>>
        %dma_start3A_80 = tpu.memref_squeeze %dma_start3A_79 : memref<1x2x128xi32, #tpu.memory_space<hbm>> -> memref<2x128xi32, #tpu.memory_space<hbm>>
        %dma_start3A_81 = arith.constant 0 : i32
        %dma_start3A_82 = arith.constant 0 : i32
        %dma_start3A_83 = tpu.memref_slice %arg3[%add3A_46, %dma_start3A_81, %dma_start3A_82] : memref<2500x2x128xi32, #tpu.memory_space<hbm>> -> memref<1x2x128xi32, #tpu.memory_space<hbm>>
        %dma_start3A_84 = tpu.memref_squeeze %dma_start3A_83 : memref<1x2x128xi32, #tpu.memory_space<hbm>> -> memref<2x128xi32, #tpu.memory_space<hbm>>
        tpu.enqueue_dma source(%dma_start3A_84 : memref<2x128xi32, #tpu.memory_space<hbm>>) target(%arg7 : memref<2x128xi32, #tpu.memory_space<vmem>>) target_semaphore(%run_scoped3A_76 : memref<!tpu.dma_semaphore, #tpu.memory_space<semaphore_mem>>)
        %dma_wait3A_85 = arith.constant 0 : i32
        %dma_wait3A_86 = arith.constant 0 : i32
        %dma_wait3A_87 = tpu.memref_slice %arg3[%add3A_46, %dma_wait3A_85, %dma_wait3A_86] : memref<2500x2x128xi32, #tpu.memory_space<hbm>> -> memref<1x2x128xi32, #tpu.memory_space<hbm>>
        %dma_wait3A_88 = tpu.memref_squeeze %dma_wait3A_87 : memref<1x2x128xi32, #tpu.memory_space<hbm>> -> memref<2x128xi32, #tpu.memory_space<hbm>>
        %dma_wait3A_89 = arith.constant 0 : i32
        %dma_wait3A_90 = arith.constant 0 : i32
        %dma_wait3A_91 = tpu.memref_slice %arg3[%add3A_46, %dma_wait3A_89, %dma_wait3A_90] : memref<2500x2x128xi32, #tpu.memory_space<hbm>> -> memref<1x2x128xi32, #tpu.memory_space<hbm>>
        %dma_wait3A_92 = tpu.memref_squeeze %dma_wait3A_91 : memref<1x2x128xi32, #tpu.memory_space<hbm>> -> memref<2x128xi32, #tpu.memory_space<hbm>>
        tpu.wait_dma2 semaphore(%run_scoped3A_76 : memref<!tpu.dma_semaphore, #tpu.memory_space<semaphore_mem>>) src(%dma_wait3A_92 : memref<2x128xi32, #tpu.memory_space<hbm>>) dst(%arg7 : memref<2x128xi32, #tpu.memory_space<vmem>>)
        tpu.yield
      }) : () -> ()
      %dma_start3A_47 = arith.constant 0 : i32
      %dma_start3A_48 = arith.constant 0 : i32
      %dma_start3A_49 = tpu.memref_slice %arg7[%dma_start3A_47, %dma_start3A_48] : memref<2x128xi32, #tpu.memory_space<vmem>> -> memref<1x128xi32, #tpu.memory_space<vmem>>
      %dma_start3A_50 = tpu.memref_squeeze %dma_start3A_49 : memref<1x128xi32, #tpu.memory_space<vmem>> -> memref<128xi32, #tpu.memory_space<vmem>>
      %dma_start3A_51 = arith.constant 0 : i32
      %dma_start3A_52 = arith.constant 0 : i32
      %dma_start3A_53 = tpu.memref_slice %arg2[%dma_start3A_51, %dma_start3A_52] : memref<10000x128xf32, #tpu.memory_space<hbm>> -> memref<10000x128xf32, #tpu.memory_space<hbm>>
      tpu.enqueue_indirect_dma source(%dma_start3A_53 : memref<10000x128xf32, #tpu.memory_space<hbm>>) target(%arg10 : memref<128x128xf32, #tpu.memory_space<vmem>>) offsets(%dma_start3A_50 : memref<128xi32, #tpu.memory_space<vmem>>) semaphore(%arg13 : memref<!tpu.dma_semaphore, #tpu.memory_space<semaphore_mem>>)
      %dma_wait3A = arith.constant 0 : i32
      %dma_wait3A_54 = arith.constant 0 : i32
      %dma_wait3A_55 = tpu.memref_slice %arg5[%dma_wait3A, %dma_wait3A_54] : memref<2x128xi32, #tpu.memory_space<vmem>> -> memref<1x128xi32, #tpu.memory_space<vmem>>
      %dma_wait3A_56 = tpu.memref_squeeze %dma_wait3A_55 : memref<1x128xi32, #tpu.memory_space<vmem>> -> memref<128xi32, #tpu.memory_space<vmem>>
      %dma_wait3A_57 = arith.constant 0 : i32
      %dma_wait3A_58 = arith.constant 0 : i32
      %dma_wait3A_59 = tpu.memref_slice %arg2[%dma_wait3A_57, %dma_wait3A_58] : memref<10000x128xf32, #tpu.memory_space<hbm>> -> memref<10000x128xf32, #tpu.memory_space<hbm>>
      tpu.wait_indirect_dma semaphore(%arg11 : memref<!tpu.dma_semaphore, #tpu.memory_space<semaphore_mem>>) src(%dma_wait3A_59 : memref<10000x128xf32, #tpu.memory_space<hbm>>) dst(%arg8 : memref<128x128xf32, #tpu.memory_space<vmem>>)
      %run_scoped3A = arith.constant 1 : i32
      "tpu.region"() ({
        %run_scoped3A_76 = tpu.sem_alloc : memref<!tpu.dma_semaphore, #tpu.memory_space<semaphore_mem>>
        %dma_start3A_77 = arith.constant 0 : i32
        %dma_start3A_78 = tpu.memref_slice %arg5[%run_scoped3A, %dma_start3A_77] : memref<2x128xi32, #tpu.memory_space<vmem>> -> memref<1x128xi32, #tpu.memory_space<vmem>>
        %dma_start3A_79 = tpu.memref_squeeze %dma_start3A_78 : memref<1x128xi32, #tpu.memory_space<vmem>> -> memref<128xi32, #tpu.memory_space<vmem>>
        %dma_start3A_80 = arith.constant 0 : i32
        %dma_start3A_81 = arith.constant 0 : i32
        %dma_start3A_82 = tpu.memref_slice %arg14[%dma_start3A_80, %dma_start3A_81] : memref<10000x128xf32, #tpu.memory_space<vmem_shared>> -> memref<10000x128xf32, #tpu.memory_space<vmem_shared>>
        tpu.enqueue_indirect_dma source(%arg8 : memref<128x128xf32, #tpu.memory_space<vmem>>) target(%dma_start3A_82 : memref<10000x128xf32, #tpu.memory_space<vmem_shared>>) offsets(%dma_start3A_79 : memref<128xi32, #tpu.memory_space<vmem>>) semaphore(%run_scoped3A_76 : memref<!tpu.dma_semaphore, #tpu.memory_space<semaphore_mem>>) {add = true}
        %dma_wait3A_83 = arith.constant 0 : i32
        %dma_wait3A_84 = tpu.memref_slice %arg5[%run_scoped3A, %dma_wait3A_83] : memref<2x128xi32, #tpu.memory_space<vmem>> -> memref<1x128xi32, #tpu.memory_space<vmem>>
        %dma_wait3A_85 = tpu.memref_squeeze %dma_wait3A_84 : memref<1x128xi32, #tpu.memory_space<vmem>> -> memref<128xi32, #tpu.memory_space<vmem>>
        %dma_wait3A_86 = arith.constant 0 : i32
        %dma_wait3A_87 = arith.constant 0 : i32
        %dma_wait3A_88 = tpu.memref_slice %arg14[%dma_wait3A_86, %dma_wait3A_87] : memref<10000x128xf32, #tpu.memory_space<vmem_shared>> -> memref<10000x128xf32, #tpu.memory_space<vmem_shared>>
        tpu.wait_indirect_dma semaphore(%run_scoped3A_76 : memref<!tpu.dma_semaphore, #tpu.memory_space<semaphore_mem>>) src(%arg8 : memref<128x128xf32, #tpu.memory_space<vmem>>) dst(%dma_wait3A_88 : memref<10000x128xf32, #tpu.memory_space<vmem_shared>>)
        tpu.yield
      }) : () -> ()
      %dma_wait3A_60 = arith.constant 0 : i32
      %dma_wait3A_61 = arith.constant 0 : i32
      %dma_wait3A_62 = tpu.memref_slice %arg6[%dma_wait3A_60, %dma_wait3A_61] : memref<2x128xi32, #tpu.memory_space<vmem>> -> memref<1x128xi32, #tpu.memory_space<vmem>>
      %dma_wait3A_63 = tpu.memref_squeeze %dma_wait3A_62 : memref<1x128xi32, #tpu.memory_space<vmem>> -> memref<128xi32, #tpu.memory_space<vmem>>
      %dma_wait3A_64 = arith.constant 0 : i32
      %dma_wait3A_65 = arith.constant 0 : i32
      %dma_wait3A_66 = tpu.memref_slice %arg2[%dma_wait3A_64, %dma_wait3A_65] : memref<10000x128xf32, #tpu.memory_space<hbm>> -> memref<10000x128xf32, #tpu.memory_space<hbm>>
      tpu.wait_indirect_dma semaphore(%arg12 : memref<!tpu.dma_semaphore, #tpu.memory_space<semaphore_mem>>) src(%dma_wait3A_66 : memref<10000x128xf32, #tpu.memory_space<hbm>>) dst(%arg9 : memref<128x128xf32, #tpu.memory_space<vmem>>)
      %run_scoped3A_67 = arith.constant 1 : i32
      "tpu.region"() ({
        %run_scoped3A_76 = tpu.sem_alloc : memref<!tpu.dma_semaphore, #tpu.memory_space<semaphore_mem>>
        %dma_start3A_77 = arith.constant 0 : i32
        %dma_start3A_78 = tpu.memref_slice %arg6[%run_scoped3A_67, %dma_start3A_77] : memref<2x128xi32, #tpu.memory_space<vmem>> -> memref<1x128xi32, #tpu.memory_space<vmem>>
        %dma_start3A_79 = tpu.memref_squeeze %dma_start3A_78 : memref<1x128xi32, #tpu.memory_space<vmem>> -> memref<128xi32, #tpu.memory_space<vmem>>
        %dma_start3A_80 = arith.constant 0 : i32
        %dma_start3A_81 = arith.constant 0 : i32
        %dma_start3A_82 = tpu.memref_slice %arg14[%dma_start3A_80, %dma_start3A_81] : memref<10000x128xf32, #tpu.memory_space<vmem_shared>> -> memref<10000x128xf32, #tpu.memory_space<vmem_shared>>
        tpu.enqueue_indirect_dma source(%arg9 : memref<128x128xf32, #tpu.memory_space<vmem>>) target(%dma_start3A_82 : memref<10000x128xf32, #tpu.memory_space<vmem_shared>>) offsets(%dma_start3A_79 : memref<128xi32, #tpu.memory_space<vmem>>) semaphore(%run_scoped3A_76 : memref<!tpu.dma_semaphore, #tpu.memory_space<semaphore_mem>>) {add = true}
        %dma_wait3A_83 = arith.constant 0 : i32
        %dma_wait3A_84 = tpu.memref_slice %arg6[%run_scoped3A_67, %dma_wait3A_83] : memref<2x128xi32, #tpu.memory_space<vmem>> -> memref<1x128xi32, #tpu.memory_space<vmem>>
        %dma_wait3A_85 = tpu.memref_squeeze %dma_wait3A_84 : memref<1x128xi32, #tpu.memory_space<vmem>> -> memref<128xi32, #tpu.memory_space<vmem>>
        %dma_wait3A_86 = arith.constant 0 : i32
        %dma_wait3A_87 = arith.constant 0 : i32
        %dma_wait3A_88 = tpu.memref_slice %arg14[%dma_wait3A_86, %dma_wait3A_87] : memref<10000x128xf32, #tpu.memory_space<vmem_shared>> -> memref<10000x128xf32, #tpu.memory_space<vmem_shared>>
        tpu.wait_indirect_dma semaphore(%run_scoped3A_76 : memref<!tpu.dma_semaphore, #tpu.memory_space<semaphore_mem>>) src(%arg9 : memref<128x128xf32, #tpu.memory_space<vmem>>) dst(%dma_wait3A_88 : memref<10000x128xf32, #tpu.memory_space<vmem_shared>>)
        tpu.yield
      }) : () -> ()
      %dma_wait3A_68 = arith.constant 0 : i32
      %dma_wait3A_69 = arith.constant 0 : i32
      %dma_wait3A_70 = tpu.memref_slice %arg7[%dma_wait3A_68, %dma_wait3A_69] : memref<2x128xi32, #tpu.memory_space<vmem>> -> memref<1x128xi32, #tpu.memory_space<vmem>>
      %dma_wait3A_71 = tpu.memref_squeeze %dma_wait3A_70 : memref<1x128xi32, #tpu.memory_space<vmem>> -> memref<128xi32, #tpu.memory_space<vmem>>
      %dma_wait3A_72 = arith.constant 0 : i32
      %dma_wait3A_73 = arith.constant 0 : i32
      %dma_wait3A_74 = tpu.memref_slice %arg2[%dma_wait3A_72, %dma_wait3A_73] : memref<10000x128xf32, #tpu.memory_space<hbm>> -> memref<10000x128xf32, #tpu.memory_space<hbm>>
      tpu.wait_indirect_dma semaphore(%arg13 : memref<!tpu.dma_semaphore, #tpu.memory_space<semaphore_mem>>) src(%dma_wait3A_74 : memref<10000x128xf32, #tpu.memory_space<hbm>>) dst(%arg10 : memref<128x128xf32, #tpu.memory_space<vmem>>)
      %run_scoped3A_75 = arith.constant 1 : i32
      "tpu.region"() ({
        %run_scoped3A_76 = tpu.sem_alloc : memref<!tpu.dma_semaphore, #tpu.memory_space<semaphore_mem>>
        %dma_start3A_77 = arith.constant 0 : i32
        %dma_start3A_78 = tpu.memref_slice %arg7[%run_scoped3A_75, %dma_start3A_77] : memref<2x128xi32, #tpu.memory_space<vmem>> -> memref<1x128xi32, #tpu.memory_space<vmem>>
        %dma_start3A_79 = tpu.memref_squeeze %dma_start3A_78 : memref<1x128xi32, #tpu.memory_space<vmem>> -> memref<128xi32, #tpu.memory_space<vmem>>
        %dma_start3A_80 = arith.constant 0 : i32
        %dma_start3A_81 = arith.constant 0 : i32
        %dma_start3A_82 = tpu.memref_slice %arg14[%dma_start3A_80, %dma_start3A_81] : memref<10000x128xf32, #tpu.memory_space<vmem_shared>> -> memref<10000x128xf32, #tpu.memory_space<vmem_shared>>
        tpu.enqueue_indirect_dma source(%arg10 : memref<128x128xf32, #tpu.memory_space<vmem>>) target(%dma_start3A_82 : memref<10000x128xf32, #tpu.memory_space<vmem_shared>>) offsets(%dma_start3A_79 : memref<128xi32, #tpu.memory_space<vmem>>) semaphore(%run_scoped3A_76 : memref<!tpu.dma_semaphore, #tpu.memory_space<semaphore_mem>>) {add = true}
        %dma_wait3A_83 = arith.constant 0 : i32
        %dma_wait3A_84 = tpu.memref_slice %arg7[%run_scoped3A_75, %dma_wait3A_83] : memref<2x128xi32, #tpu.memory_space<vmem>> -> memref<1x128xi32, #tpu.memory_space<vmem>>
        %dma_wait3A_85 = tpu.memref_squeeze %dma_wait3A_84 : memref<1x128xi32, #tpu.memory_space<vmem>> -> memref<128xi32, #tpu.memory_space<vmem>>
        %dma_wait3A_86 = arith.constant 0 : i32
        %dma_wait3A_87 = arith.constant 0 : i32
        %dma_wait3A_88 = tpu.memref_slice %arg14[%dma_wait3A_86, %dma_wait3A_87] : memref<10000x128xf32, #tpu.memory_space<vmem_shared>> -> memref<10000x128xf32, #tpu.memory_space<vmem_shared>>
        tpu.wait_indirect_dma semaphore(%run_scoped3A_76 : memref<!tpu.dma_semaphore, #tpu.memory_space<semaphore_mem>>) src(%arg10 : memref<128x128xf32, #tpu.memory_space<vmem>>) dst(%dma_wait3A_88 : memref<10000x128xf32, #tpu.memory_space<vmem_shared>>)
        tpu.yield
      }) : () -> ()
    }
    %scan3A_11 = arith.constant 26 : i32
    %lt3A = arith.constant 4 : i32
    %lt3A_12 = arith.cmpi slt, %add3A, %lt3A : i32
    %convert_element_type3A = arith.extui %lt3A_12 : i1 to i32
    %cond3A = arith.constant 0 : i32
    %cond3A_13 = arith.cmpi ne, %convert_element_type3A, %cond3A : i32
    scf.if %cond3A_13 {
      %add3A_20 = arith.constant 2496 : i32
      %add3A_21 = arith.addi %add3A_20, %add3A : i32
      "tpu.region"() ({
        %run_scoped3A_34 = tpu.sem_alloc : memref<!tpu.dma_semaphore, #tpu.memory_space<semaphore_mem>>
        %dma_start3A_35 = arith.constant 0 : i32
        %dma_start3A_36 = arith.constant 0 : i32
        %dma_start3A_37 = tpu.memref_slice %arg3[%add3A_21, %dma_start3A_35, %dma_start3A_36] : memref<2500x2x128xi32, #tpu.memory_space<hbm>> -> memref<1x2x128xi32, #tpu.memory_space<hbm>>
        %dma_start3A_38 = tpu.memref_squeeze %dma_start3A_37 : memref<1x2x128xi32, #tpu.memory_space<hbm>> -> memref<2x128xi32, #tpu.memory_space<hbm>>
        %dma_start3A_39 = arith.constant 0 : i32
        %dma_start3A_40 = arith.constant 0 : i32
        %dma_start3A_41 = tpu.memref_slice %arg3[%add3A_21, %dma_start3A_39, %dma_start3A_40] : memref<2500x2x128xi32, #tpu.memory_space<hbm>> -> memref<1x2x128xi32, #tpu.memory_space<hbm>>
        %dma_start3A_42 = tpu.memref_squeeze %dma_start3A_41 : memref<1x2x128xi32, #tpu.memory_space<hbm>> -> memref<2x128xi32, #tpu.memory_space<hbm>>
        tpu.enqueue_dma source(%dma_start3A_42 : memref<2x128xi32, #tpu.memory_space<hbm>>) target(%arg5 : memref<2x128xi32, #tpu.memory_space<vmem>>) target_semaphore(%run_scoped3A_34 : memref<!tpu.dma_semaphore, #tpu.memory_space<semaphore_mem>>)
        %dma_wait3A_43 = arith.constant 0 : i32
        %dma_wait3A_44 = arith.constant 0 : i32
        %dma_wait3A_45 = tpu.memref_slice %arg3[%add3A_21, %dma_wait3A_43, %dma_wait3A_44] : memref<2500x2x128xi32, #tpu.memory_space<hbm>> -> memref<1x2x128xi32, #tpu.memory_space<hbm>>
        %dma_wait3A_46 = tpu.memref_squeeze %dma_wait3A_45 : memref<1x2x128xi32, #tpu.memory_space<hbm>> -> memref<2x128xi32, #tpu.memory_space<hbm>>
        %dma_wait3A_47 = arith.constant 0 : i32
        %dma_wait3A_48 = arith.constant 0 : i32
        %dma_wait3A_49 = tpu.memref_slice %arg3[%add3A_21, %dma_wait3A_47, %dma_wait3A_48] : memref<2500x2x128xi32, #tpu.memory_space<hbm>> -> memref<1x2x128xi32, #tpu.memory_space<hbm>>
        %dma_wait3A_50 = tpu.memref_squeeze %dma_wait3A_49 : memref<1x2x128xi32, #tpu.memory_space<hbm>> -> memref<2x128xi32, #tpu.memory_space<hbm>>
        tpu.wait_dma2 semaphore(%run_scoped3A_34 : memref<!tpu.dma_semaphore, #tpu.memory_space<semaphore_mem>>) src(%dma_wait3A_50 : memref<2x128xi32, #tpu.memory_space<hbm>>) dst(%arg5 : memref<2x128xi32, #tpu.memory_space<vmem>>)
        tpu.yield
      }) : () -> ()
      %dma_start3A = arith.constant 0 : i32
      %dma_start3A_22 = arith.constant 0 : i32
      %dma_start3A_23 = tpu.memref_slice %arg5[%dma_start3A, %dma_start3A_22] : memref<2x128xi32, #tpu.memory_space<vmem>> -> memref<1x128xi32, #tpu.memory_space<vmem>>
      %dma_start3A_24 = tpu.memref_squeeze %dma_start3A_23 : memref<1x128xi32, #tpu.memory_space<vmem>> -> memref<128xi32, #tpu.memory_space<vmem>>
      %dma_start3A_25 = arith.constant 0 : i32
      %dma_start3A_26 = arith.constant 0 : i32
      %dma_start3A_27 = tpu.memref_slice %arg2[%dma_start3A_25, %dma_start3A_26] : memref<10000x128xf32, #tpu.memory_space<hbm>> -> memref<10000x128xf32, #tpu.memory_space<hbm>>
      tpu.enqueue_indirect_dma source(%dma_start3A_27 : memref<10000x128xf32, #tpu.memory_space<hbm>>) target(%arg8 : memref<128x128xf32, #tpu.memory_space<vmem>>) offsets(%dma_start3A_24 : memref<128xi32, #tpu.memory_space<vmem>>) semaphore(%arg11 : memref<!tpu.dma_semaphore, #tpu.memory_space<semaphore_mem>>)
      %dma_wait3A = arith.constant 0 : i32
      %dma_wait3A_28 = arith.constant 0 : i32
      %dma_wait3A_29 = tpu.memref_slice %arg5[%dma_wait3A, %dma_wait3A_28] : memref<2x128xi32, #tpu.memory_space<vmem>> -> memref<1x128xi32, #tpu.memory_space<vmem>>
      %dma_wait3A_30 = tpu.memref_squeeze %dma_wait3A_29 : memref<1x128xi32, #tpu.memory_space<vmem>> -> memref<128xi32, #tpu.memory_space<vmem>>
      %dma_wait3A_31 = arith.constant 0 : i32
      %dma_wait3A_32 = arith.constant 0 : i32
      %dma_wait3A_33 = tpu.memref_slice %arg2[%dma_wait3A_31, %dma_wait3A_32] : memref<10000x128xf32, #tpu.memory_space<hbm>> -> memref<10000x128xf32, #tpu.memory_space<hbm>>
      tpu.wait_indirect_dma semaphore(%arg11 : memref<!tpu.dma_semaphore, #tpu.memory_space<semaphore_mem>>) src(%dma_wait3A_33 : memref<10000x128xf32, #tpu.memory_space<hbm>>) dst(%arg8 : memref<128x128xf32, #tpu.memory_space<vmem>>)
      %run_scoped3A = arith.constant 1 : i32
      "tpu.region"() ({
        %run_scoped3A_34 = tpu.sem_alloc : memref<!tpu.dma_semaphore, #tpu.memory_space<semaphore_mem>>
        %dma_start3A_35 = arith.constant 0 : i32
        %dma_start3A_36 = tpu.memref_slice %arg5[%run_scoped3A, %dma_start3A_35] : memref<2x128xi32, #tpu.memory_space<vmem>> -> memref<1x128xi32, #tpu.memory_space<vmem>>
        %dma_start3A_37 = tpu.memref_squeeze %dma_start3A_36 : memref<1x128xi32, #tpu.memory_space<vmem>> -> memref<128xi32, #tpu.memory_space<vmem>>
        %dma_start3A_38 = arith.constant 0 : i32
        %dma_start3A_39 = arith.constant 0 : i32
        %dma_start3A_40 = tpu.memref_slice %arg14[%dma_start3A_38, %dma_start3A_39] : memref<10000x128xf32, #tpu.memory_space<vmem_shared>> -> memref<10000x128xf32, #tpu.memory_space<vmem_shared>>
        tpu.enqueue_indirect_dma source(%arg8 : memref<128x128xf32, #tpu.memory_space<vmem>>) target(%dma_start3A_40 : memref<10000x128xf32, #tpu.memory_space<vmem_shared>>) offsets(%dma_start3A_37 : memref<128xi32, #tpu.memory_space<vmem>>) semaphore(%run_scoped3A_34 : memref<!tpu.dma_semaphore, #tpu.memory_space<semaphore_mem>>) {add = true}
        %dma_wait3A_41 = arith.constant 0 : i32
        %dma_wait3A_42 = tpu.memref_slice %arg5[%run_scoped3A, %dma_wait3A_41] : memref<2x128xi32, #tpu.memory_space<vmem>> -> memref<1x128xi32, #tpu.memory_space<vmem>>
        %dma_wait3A_43 = tpu.memref_squeeze %dma_wait3A_42 : memref<1x128xi32, #tpu.memory_space<vmem>> -> memref<128xi32, #tpu.memory_space<vmem>>
        %dma_wait3A_44 = arith.constant 0 : i32
        %dma_wait3A_45 = arith.constant 0 : i32
        %dma_wait3A_46 = tpu.memref_slice %arg14[%dma_wait3A_44, %dma_wait3A_45] : memref<10000x128xf32, #tpu.memory_space<vmem_shared>> -> memref<10000x128xf32, #tpu.memory_space<vmem_shared>>
        tpu.wait_indirect_dma semaphore(%run_scoped3A_34 : memref<!tpu.dma_semaphore, #tpu.memory_space<semaphore_mem>>) src(%arg8 : memref<128x128xf32, #tpu.memory_space<vmem>>) dst(%dma_wait3A_46 : memref<10000x128xf32, #tpu.memory_space<vmem_shared>>)
        tpu.yield
      }) : () -> ()
    } else {
    }
    %barrier3A_14 = arith.constant 0 : index
    tpu.barrier barrier_id(%barrier3A_14)
    %scan3A_15 = arith.constant 0 : i32
    %scan3A_16 = arith.constant 50 : i32
    %scan3A_17 = arith.addi %scan3A_15, %scan3A_16 : i32
    %scan3A_18 = arith.constant 1 : i32
    scf.for %scan3A_20 = %scan3A_15 to %scan3A_17 step %scan3A_18  : i32 {
      %mul3A_21 = arith.constant 1 : i32
      %mul3A_22 = arith.muli %scan3A_20, %mul3A_21 : i32
      %add3A_23 = arith.constant 0 : i32
      %add3A_24 = arith.addi %add3A_23, %mul3A_22 : i32
      %jit3A = arith.constant 16 : i32
      %eq3A = arith.constant 0 : i32
      %eq3A_25 = arith.cmpi eq, %jit3A, %eq3A : i32
      %jit3A_26 = arith.constant 1 : i32
      %select_n3A = arith.select %eq3A_25, %jit3A_26, %jit3A : i32
      %rem3A = arith.remsi %add3A_24, %select_n3A : i32
      %ne3A = arith.constant 0 : i32
      %ne3A_27 = arith.cmpi ne, %rem3A, %ne3A : i32
      %lt3A_28 = arith.constant 0 : i32
      %lt3A_29 = arith.cmpi slt, %rem3A, %lt3A_28 : i32
      %lt3A_30 = arith.constant 0 : i32
      %lt3A_31 = arith.cmpi slt, %select_n3A, %lt3A_30 : i32
      %ne3A_32 = arith.xori %lt3A_29, %lt3A_31 : i1
      %and3A = arith.andi %ne3A_32, %ne3A_27 : i1
      %add3A_33 = arith.addi %rem3A, %select_n3A : i32
      %select_n3A_34 = arith.select %and3A, %add3A_33, %rem3A : i32
      %eq3A_35 = arith.cmpi eq, %select_n3A_34, %arg1 : i32
      %convert_element_type3A_36 = arith.extui %eq3A_35 : i1 to i32
      %cond3A_37 = arith.constant 0 : i32
      %cond3A_38 = arith.cmpi ne, %convert_element_type3A_36, %cond3A_37 : i32
      scf.if %cond3A_38 {
        %mul3A_39 = arith.constant 200 : i32
        %mul3A_40 = arith.muli %add3A_24, %mul3A_39 : i32
        %mul3A_41 = arith.constant 200 : i32
        %mul3A_42 = arith.muli %add3A_24, %mul3A_41 : i32
        "tpu.region"() ({
          %run_scoped3A = tpu.sem_alloc : memref<!tpu.dma_semaphore, #tpu.memory_space<semaphore_mem>>
          %dma_start3A = arith.constant 0 : i32
          %dma_start3A_43 = tpu.memref_slice %arg4[%arg0, %mul3A_42, %dma_start3A] : memref<2x10000x128xf32, #tpu.memory_space<hbm>> -> memref<1x200x128xf32, #tpu.memory_space<hbm>>
          %dma_start3A_44 = tpu.memref_squeeze %dma_start3A_43 : memref<1x200x128xf32, #tpu.memory_space<hbm>> -> memref<200x128xf32, #tpu.memory_space<hbm>>
          %dma_start3A_45 = arith.constant 0 : i32
          %dma_start3A_46 = tpu.memref_slice %arg14[%mul3A_40, %dma_start3A_45] : memref<10000x128xf32, #tpu.memory_space<vmem_shared>> -> memref<200x128xf32, #tpu.memory_space<vmem_shared>>
          tpu.enqueue_dma source(%dma_start3A_46 : memref<200x128xf32, #tpu.memory_space<vmem_shared>>) target(%dma_start3A_44 : memref<200x128xf32, #tpu.memory_space<hbm>>) target_semaphore(%run_scoped3A : memref<!tpu.dma_semaphore, #tpu.memory_space<semaphore_mem>>)
          %dma_wait3A = arith.constant 0 : i32
          %dma_wait3A_47 = tpu.memref_slice %arg4[%arg0, %mul3A_42, %dma_wait3A] : memref<2x10000x128xf32, #tpu.memory_space<hbm>> -> memref<1x200x128xf32, #tpu.memory_space<hbm>>
          %dma_wait3A_48 = tpu.memref_squeeze %dma_wait3A_47 : memref<1x200x128xf32, #tpu.memory_space<hbm>> -> memref<200x128xf32, #tpu.memory_space<hbm>>
          %dma_wait3A_49 = arith.constant 0 : i32
          %dma_wait3A_50 = tpu.memref_slice %arg14[%mul3A_40, %dma_wait3A_49] : memref<10000x128xf32, #tpu.memory_space<vmem_shared>> -> memref<200x128xf32, #tpu.memory_space<vmem_shared>>
          tpu.wait_dma2 semaphore(%run_scoped3A : memref<!tpu.dma_semaphore, #tpu.memory_space<semaphore_mem>>) src(%dma_wait3A_50 : memref<200x128xf32, #tpu.memory_space<vmem_shared>>) dst(%dma_wait3A_48 : memref<200x128xf32, #tpu.memory_space<hbm>>)
          tpu.yield
        }) : () -> ()
      } else {
      }
    }
    %scan3A_19 = arith.constant 50 : i32
    return
  }
}

module attributes {stable_mosaic.version = 14 : i64} {
  func.func @_scale_body(%arg0: i32, %arg1: memref<2x1000x16xf32, #tpu.memory_space<vmem>>, %arg2: memref<1000x128xf32, #tpu.memory_space<vmem>>, %arg3: memref<1000x128xf32, #tpu.memory_space<vmem>>) attributes {dimension_semantics = [#tpu.dimension_semantics<arbitrary>], iteration_bounds = array<i64: 10>, scalar_prefetch = 0 : i64, scratch_operands = 0 : i64, tpu.core_type = #tpu.core_type<tc>, window_params = [{transform_indices = @transform_0, window_bounds = array<i64: 2, 1000, 16>}, {transform_indices = @transform_1, window_bounds = array<i64: 1000, 128>}, {transform_indices = @transform_2, window_bounds = array<i64: 1000, 128>}]} {
    %get3A = arith.constant 0 : index
    %get3A_0 = arith.constant 0 : index
    %get3A_1 = vector.load %arg2[%get3A, %get3A_0] : memref<1000x128xf32, #tpu.memory_space<vmem>>, vector<1000x128xf32>
    %get3A_2 = arith.constant 0 : index
    %get3A_3 = arith.constant 0 : index
    %get3A_4 = arith.constant 0 : index
    %get3A_5 = vector.load %arg1[%get3A_2, %get3A_3, %get3A_4] : memref<2x1000x16xf32, #tpu.memory_space<vmem>>, vector<1x1000x1xf32>
    %get3A_6 = vector.shape_cast %get3A_5 : vector<1x1000x1xf32> to vector<1000x1xf32>
    %add3A = arith.constant 1.000000e+00 : f32
    %add3A_7 = vector.broadcast %add3A : f32 to vector<1000x1xf32>
    %add3A_8 = arith.addf %add3A_7, %get3A_6 : vector<1000x1xf32>
    %get3A_9 = arith.constant 1 : index
    %get3A_10 = arith.constant 0 : index
    %get3A_11 = arith.constant 0 : index
    %get3A_12 = vector.load %arg1[%get3A_9, %get3A_10, %get3A_11] : memref<2x1000x16xf32, #tpu.memory_space<vmem>>, vector<1x1000x1xf32>
    %get3A_13 = vector.shape_cast %get3A_12 : vector<1x1000x1xf32> to vector<1000x1xf32>
    %add3A_14 = arith.addf %add3A_8, %get3A_13 : vector<1000x1xf32>
    %rsqrt3A = math.rsqrt %add3A_14 : vector<1000x1xf32>
    %mul3A = vector.broadcast %rsqrt3A : vector<1000x1xf32> to vector<1000x128xf32>
    %mul3A_15 = arith.mulf %get3A_1, %mul3A : vector<1000x128xf32>
    %swap3A = arith.constant 0 : index
    %swap3A_16 = arith.constant 0 : index
    %swap3A_17 = vector.load %arg3[%swap3A, %swap3A_16] : memref<1000x128xf32, #tpu.memory_space<vmem>>, vector<1000x128xf32>
    tpu.vector_store %arg3[%swap3A, %swap3A_16], %mul3A_15 {strides = array<i32>} : memref<1000x128xf32, #tpu.memory_space<vmem>>, vector<1000x128xf32>,
    return
  }
  func.func @transform_0(%arg0: i32) -> (i32, i32, i32) {
    %c0_i32 = arith.constant 0 : i32
    %c0_i32_0 = arith.constant 0 : i32
    %c0_i32_1 = arith.constant 0 : i32
    return %c0_i32, %arg0, %c0_i32_0 : i32, i32, i32
  }
  func.func @transform_1(%arg0: i32) -> (i32, i32) {
    %c0_i32 = arith.constant 0 : i32
    %c0_i32_0 = arith.constant 0 : i32
    return %arg0, %c0_i32 : i32, i32
  }
  func.func @transform_2(%arg0: i32) -> (i32, i32) {
    %c0_i32 = arith.constant 0 : i32
    %c0_i32_0 = arith.constant 0 : i32
    return %arg0, %c0_i32 : i32, i32
  }
}

module attributes {stable_mosaic.version = 14 : i64} {
  func.func @_mm_body(%arg0: i32, %arg1: memref<1000x128xf32, #tpu.memory_space<vmem>>, %arg2: memref<128x128xf32, #tpu.memory_space<vmem>>, %arg3: memref<1000x128xf32, #tpu.memory_space<vmem>>) attributes {dimension_semantics = [#tpu.dimension_semantics<arbitrary>], iteration_bounds = array<i64: 10>, scalar_prefetch = 0 : i64, scratch_operands = 0 : i64, tpu.core_type = #tpu.core_type<tc>, window_params = [{transform_indices = @transform_0, window_bounds = array<i64: 1000, 128>}, {pipeline_mode = #tpu.pipeline_mode<synchronous>, transform_indices = @transform_1, window_bounds = array<i64: 128, 128>}, {transform_indices = @transform_2, window_bounds = array<i64: 1000, 128>}]} {
    %get3A = arith.constant 0 : index
    %get3A_0 = arith.constant 0 : index
    %get3A_1 = vector.load %arg1[%get3A, %get3A_0] : memref<1000x128xf32, #tpu.memory_space<vmem>>, vector<1000x128xf32>
    %get3A_2 = arith.constant 0 : index
    %get3A_3 = arith.constant 0 : index
    %get3A_4 = vector.load %arg2[%get3A_2, %get3A_3] : memref<128x128xf32, #tpu.memory_space<vmem>>, vector<128x128xf32>
    %dot_general3A = arith.constant dense<0.000000e+00> : vector<1000x128xf32>
    %dot_general3A_5 = tpu.matmul %get3A_1, %get3A_4, %dot_general3A {dimension_numbers = #tpu.dot_dimension_numbers<[1], [0], [0], [1], [0, 0, 1, 1], [], []>, precision = #tpu.contract_precision<fp32>, transpose_lhs_hint = false} : vector<1000x128xf32>, vector<128x128xf32>, vector<1000x128xf32> -> vector<1000x128xf32>
    %swap3A = arith.constant 0 : index
    %swap3A_6 = arith.constant 0 : index
    %swap3A_7 = vector.load %arg3[%swap3A, %swap3A_6] : memref<1000x128xf32, #tpu.memory_space<vmem>>, vector<1000x128xf32>
    tpu.vector_store %arg3[%swap3A, %swap3A_6], %dot_general3A_5 {strides = array<i32>} : memref<1000x128xf32, #tpu.memory_space<vmem>>, vector<1000x128xf32>,
    return
  }
  func.func @transform_0(%arg0: i32) -> (i32, i32) {
    %c0_i32 = arith.constant 0 : i32
    %c0_i32_0 = arith.constant 0 : i32
    return %arg0, %c0_i32 : i32, i32
  }
  func.func @transform_1(%arg0: i32) -> (i32, i32) {
    %c0_i32 = arith.constant 0 : i32
    %c0_i32_0 = arith.constant 0 : i32
    %c0_i32_1 = arith.constant 0 : i32
    return %c0_i32, %c0_i32_0 : i32, i32
  }
  func.func @transform_2(%arg0: i32) -> (i32, i32) {
    %c0_i32 = arith.constant 0 : i32
    %c0_i32_0 = arith.constant 0 : i32
    return %arg0, %c0_i32 : i32, i32
  }
}

module attributes {stable_mosaic.version = 14 : i64} {
  func.func @_mid_body(%arg0: i32, %arg1: memref<2x1000x128xf32, #tpu.memory_space<vmem>>, %arg2: memref<1000x128xf32, #tpu.memory_space<vmem>>, %arg3: memref<2x1000x16xf32, #tpu.memory_space<vmem>>, %arg4: memref<1x128xf32, #tpu.memory_space<vmem>>, %arg5: memref<128x128xf32, #tpu.memory_space<vmem>>, %arg6: memref<1000x128xf32, #tpu.memory_space<vmem>>) attributes {dimension_semantics = [#tpu.dimension_semantics<arbitrary>], iteration_bounds = array<i64: 10>, scalar_prefetch = 0 : i64, scratch_operands = 0 : i64, tpu.core_type = #tpu.core_type<tc>, window_params = [{transform_indices = @transform_0, window_bounds = array<i64: 2, 1000, 128>}, {transform_indices = @transform_1, window_bounds = array<i64: 1000, 128>}, {transform_indices = @transform_2, window_bounds = array<i64: 2, 1000, 16>}, {pipeline_mode = #tpu.pipeline_mode<synchronous>, transform_indices = @transform_3, window_bounds = array<i64: 1, 128>}, {pipeline_mode = #tpu.pipeline_mode<synchronous>, transform_indices = @transform_4, window_bounds = array<i64: 128, 128>}, {transform_indices = @transform_5, window_bounds = array<i64: 1000, 128>}]} {
    %get3A = arith.constant 0 : index
    %get3A_0 = arith.constant 0 : index
    %get3A_1 = arith.constant 0 : index
    %get3A_2 = vector.load %arg3[%get3A, %get3A_0, %get3A_1] : memref<2x1000x16xf32, #tpu.memory_space<vmem>>, vector<1x1000x1xf32>
    %get3A_3 = vector.shape_cast %get3A_2 : vector<1x1000x1xf32> to vector<1000x1xf32>
    %add3A = arith.constant 1.000000e+00 : f32
    %add3A_4 = vector.broadcast %add3A : f32 to vector<1000x1xf32>
    %add3A_5 = arith.addf %add3A_4, %get3A_3 : vector<1000x1xf32>
    %get3A_6 = arith.constant 1 : index
    %get3A_7 = arith.constant 0 : index
    %get3A_8 = arith.constant 0 : index
    %get3A_9 = vector.load %arg3[%get3A_6, %get3A_7, %get3A_8] : memref<2x1000x16xf32, #tpu.memory_space<vmem>>, vector<1x1000x1xf32>
    %get3A_10 = vector.shape_cast %get3A_9 : vector<1x1000x1xf32> to vector<1000x1xf32>
    %add3A_11 = arith.addf %add3A_5, %get3A_10 : vector<1000x1xf32>
    %rsqrt3A = math.rsqrt %add3A_11 : vector<1000x1xf32>
    %get3A_12 = arith.constant 0 : index
    %get3A_13 = arith.constant 0 : index
    %get3A_14 = arith.constant 0 : index
    %get3A_15 = vector.load %arg1[%get3A_12, %get3A_13, %get3A_14] : memref<2x1000x128xf32, #tpu.memory_space<vmem>>, vector<1x1000x128xf32>
    %get3A_16 = vector.shape_cast %get3A_15 : vector<1x1000x128xf32> to vector<1000x128xf32>
    %get3A_17 = arith.constant 1 : index
    %get3A_18 = arith.constant 0 : index
    %get3A_19 = arith.constant 0 : index
    %get3A_20 = vector.load %arg1[%get3A_17, %get3A_18, %get3A_19] : memref<2x1000x128xf32, #tpu.memory_space<vmem>>, vector<1x1000x128xf32>
    %get3A_21 = vector.shape_cast %get3A_20 : vector<1x1000x128xf32> to vector<1000x128xf32>
    %add3A_22 = arith.addf %get3A_16, %get3A_21 : vector<1000x128xf32>
    %get3A_23 = arith.constant 0 : index
    %get3A_24 = arith.constant 0 : index
    %get3A_25 = vector.load %arg2[%get3A_23, %get3A_24] : memref<1000x128xf32, #tpu.memory_space<vmem>>, vector<1000x128xf32>
    %sub3A = arith.subf %add3A_22, %get3A_25 : vector<1000x128xf32>
    %mul3A = vector.broadcast %rsqrt3A : vector<1000x1xf32> to vector<1000x128xf32>
    %mul3A_26 = arith.mulf %sub3A, %mul3A : vector<1000x128xf32>
    %get3A_27 = arith.constant 0 : index
    %get3A_28 = arith.constant 0 : index
    %get3A_29 = vector.load %arg4[%get3A_27, %get3A_28] : memref<1x128xf32, #tpu.memory_space<vmem>>, vector<1x128xf32>
    %add3A_30 = vector.broadcast %get3A_29 : vector<1x128xf32> to vector<1000x128xf32>
    %add3A_31 = arith.addf %mul3A_26, %add3A_30 : vector<1000x128xf32>
    %max3A = arith.constant 0.000000e+00 : f32
    %max3A_32 = vector.broadcast %max3A : f32 to vector<1000x128xf32>
    %max3A_33 = arith.maximumf %add3A_31, %max3A_32 : vector<1000x128xf32>
    %get3A_34 = arith.constant 0 : index
    %get3A_35 = arith.constant 0 : index
    %get3A_36 = vector.load %arg5[%get3A_34, %get3A_35] : memref<128x128xf32, #tpu.memory_space<vmem>>, vector<128x128xf32>
    %dot_general3A = arith.constant dense<0.000000e+00> : vector<1000x128xf32>
    %dot_general3A_37 = tpu.matmul %max3A_33, %get3A_36, %dot_general3A {dimension_numbers = #tpu.dot_dimension_numbers<[1], [0], [0], [1], [0, 0, 1, 1], [], []>, precision = #tpu.contract_precision<fp32>, transpose_lhs_hint = false} : vector<1000x128xf32>, vector<128x128xf32>, vector<1000x128xf32> -> vector<1000x128xf32>
    %mul3A_38 = vector.broadcast %rsqrt3A : vector<1000x1xf32> to vector<1000x128xf32>
    %mul3A_39 = arith.mulf %dot_general3A_37, %mul3A_38 : vector<1000x128xf32>
    %swap3A = arith.constant 0 : index
    %swap3A_40 = arith.constant 0 : index
    %swap3A_41 = vector.load %arg6[%swap3A, %swap3A_40] : memref<1000x128xf32, #tpu.memory_space<vmem>>, vector<1000x128xf32>
    tpu.vector_store %arg6[%swap3A, %swap3A_40], %mul3A_39 {strides = array<i32>} : memref<1000x128xf32, #tpu.memory_space<vmem>>, vector<1000x128xf32>,
    return
  }
  func.func @transform_0(%arg0: i32) -> (i32, i32, i32) {
    %c0_i32 = arith.constant 0 : i32
    %c0_i32_0 = arith.constant 0 : i32
    %c0_i32_1 = arith.constant 0 : i32
    return %c0_i32, %arg0, %c0_i32_0 : i32, i32, i32
  }
  func.func @transform_1(%arg0: i32) -> (i32, i32) {
    %c0_i32 = arith.constant 0 : i32
    %c0_i32_0 = arith.constant 0 : i32
    return %arg0, %c0_i32 : i32, i32
  }
  func.func @transform_2(%arg0: i32) -> (i32, i32, i32) {
    %c0_i32 = arith.constant 0 : i32
    %c0_i32_0 = arith.constant 0 : i32
    %c0_i32_1 = arith.constant 0 : i32
    return %c0_i32, %arg0, %c0_i32_0 : i32, i32, i32
  }
  func.func @transform_3(%arg0: i32) -> (i32, i32) {
    %c0_i32 = arith.constant 0 : i32
    %c0_i32_0 = arith.constant 0 : i32
    %c0_i32_1 = arith.constant 0 : i32
    return %c0_i32, %c0_i32_0 : i32, i32
  }
  func.func @transform_4(%arg0: i32) -> (i32, i32) {
    %c0_i32 = arith.constant 0 : i32
    %c0_i32_0 = arith.constant 0 : i32
    %c0_i32_1 = arith.constant 0 : i32
    return %c0_i32, %c0_i32_0 : i32, i32
  }
  func.func @transform_5(%arg0: i32) -> (i32, i32) {
    %c0_i32 = arith.constant 0 : i32
    %c0_i32_0 = arith.constant 0 : i32
    return %arg0, %c0_i32 : i32, i32
  }
}

module attributes {stable_mosaic.version = 14 : i64} {
  func.func @_final_body(%arg0: i32, %arg1: memref<2x1000x128xf32, #tpu.memory_space<vmem>>, %arg2: memref<1000x128xf32, #tpu.memory_space<vmem>>, %arg3: memref<2x1000x16xf32, #tpu.memory_space<vmem>>, %arg4: memref<1x128xf32, #tpu.memory_space<vmem>>, %arg5: memref<1000x128xf32, #tpu.memory_space<vmem>>) attributes {dimension_semantics = [#tpu.dimension_semantics<arbitrary>], iteration_bounds = array<i64: 10>, scalar_prefetch = 0 : i64, scratch_operands = 0 : i64, tpu.core_type = #tpu.core_type<tc>, window_params = [{transform_indices = @transform_0, window_bounds = array<i64: 2, 1000, 128>}, {transform_indices = @transform_1, window_bounds = array<i64: 1000, 128>}, {transform_indices = @transform_2, window_bounds = array<i64: 2, 1000, 16>}, {pipeline_mode = #tpu.pipeline_mode<synchronous>, transform_indices = @transform_3, window_bounds = array<i64: 1, 128>}, {transform_indices = @transform_4, window_bounds = array<i64: 1000, 128>}]} {
    %get3A = arith.constant 0 : index
    %get3A_0 = arith.constant 0 : index
    %get3A_1 = arith.constant 0 : index
    %get3A_2 = vector.load %arg3[%get3A, %get3A_0, %get3A_1] : memref<2x1000x16xf32, #tpu.memory_space<vmem>>, vector<1x1000x1xf32>
    %get3A_3 = vector.shape_cast %get3A_2 : vector<1x1000x1xf32> to vector<1000x1xf32>
    %add3A = arith.constant 1.000000e+00 : f32
    %add3A_4 = vector.broadcast %add3A : f32 to vector<1000x1xf32>
    %add3A_5 = arith.addf %add3A_4, %get3A_3 : vector<1000x1xf32>
    %get3A_6 = arith.constant 1 : index
    %get3A_7 = arith.constant 0 : index
    %get3A_8 = arith.constant 0 : index
    %get3A_9 = vector.load %arg3[%get3A_6, %get3A_7, %get3A_8] : memref<2x1000x16xf32, #tpu.memory_space<vmem>>, vector<1x1000x1xf32>
    %get3A_10 = vector.shape_cast %get3A_9 : vector<1x1000x1xf32> to vector<1000x1xf32>
    %add3A_11 = arith.addf %add3A_5, %get3A_10 : vector<1000x1xf32>
    %rsqrt3A = math.rsqrt %add3A_11 : vector<1000x1xf32>
    %get3A_12 = arith.constant 0 : index
    %get3A_13 = arith.constant 0 : index
    %get3A_14 = arith.constant 0 : index
    %get3A_15 = vector.load %arg1[%get3A_12, %get3A_13, %get3A_14] : memref<2x1000x128xf32, #tpu.memory_space<vmem>>, vector<1x1000x128xf32>
    %get3A_16 = vector.shape_cast %get3A_15 : vector<1x1000x128xf32> to vector<1000x128xf32>
    %get3A_17 = arith.constant 1 : index
    %get3A_18 = arith.constant 0 : index
    %get3A_19 = arith.constant 0 : index
    %get3A_20 = vector.load %arg1[%get3A_17, %get3A_18, %get3A_19] : memref<2x1000x128xf32, #tpu.memory_space<vmem>>, vector<1x1000x128xf32>
    %get3A_21 = vector.shape_cast %get3A_20 : vector<1x1000x128xf32> to vector<1000x128xf32>
    %add3A_22 = arith.addf %get3A_16, %get3A_21 : vector<1000x128xf32>
    %get3A_23 = arith.constant 0 : index
    %get3A_24 = arith.constant 0 : index
    %get3A_25 = vector.load %arg2[%get3A_23, %get3A_24] : memref<1000x128xf32, #tpu.memory_space<vmem>>, vector<1000x128xf32>
    %sub3A = arith.subf %add3A_22, %get3A_25 : vector<1000x128xf32>
    %mul3A = vector.broadcast %rsqrt3A : vector<1000x1xf32> to vector<1000x128xf32>
    %mul3A_26 = arith.mulf %sub3A, %mul3A : vector<1000x128xf32>
    %get3A_27 = arith.constant 0 : index
    %get3A_28 = arith.constant 0 : index
    %get3A_29 = vector.load %arg4[%get3A_27, %get3A_28] : memref<1x128xf32, #tpu.memory_space<vmem>>, vector<1x128xf32>
    %add3A_30 = vector.broadcast %get3A_29 : vector<1x128xf32> to vector<1000x128xf32>
    %add3A_31 = arith.addf %mul3A_26, %add3A_30 : vector<1000x128xf32>
    %swap3A = arith.constant 0 : index
    %swap3A_32 = arith.constant 0 : index
    %swap3A_33 = vector.load %arg5[%swap3A, %swap3A_32] : memref<1000x128xf32, #tpu.memory_space<vmem>>, vector<1000x128xf32>
    tpu.vector_store %arg5[%swap3A, %swap3A_32], %add3A_31 {strides = array<i32>} : memref<1000x128xf32, #tpu.memory_space<vmem>>, vector<1000x128xf32>,
    return
  }
  func.func @transform_0(%arg0: i32) -> (i32, i32, i32) {
    %c0_i32 = arith.constant 0 : i32
    %c0_i32_0 = arith.constant 0 : i32
    %c0_i32_1 = arith.constant 0 : i32
    return %c0_i32, %arg0, %c0_i32_0 : i32, i32, i32
  }
  func.func @transform_1(%arg0: i32) -> (i32, i32) {
    %c0_i32 = arith.constant 0 : i32
    %c0_i32_0 = arith.constant 0 : i32
    return %arg0, %c0_i32 : i32, i32
  }
  func.func @transform_2(%arg0: i32) -> (i32, i32, i32) {
    %c0_i32 = arith.constant 0 : i32
    %c0_i32_0 = arith.constant 0 : i32
    %c0_i32_1 = arith.constant 0 : i32
    return %c0_i32, %arg0, %c0_i32_0 : i32, i32, i32
  }
  func.func @transform_3(%arg0: i32) -> (i32, i32) {
    %c0_i32 = arith.constant 0 : i32
    %c0_i32_0 = arith.constant 0 : i32
    %c0_i32_1 = arith.constant 0 : i32
    return %c0_i32, %c0_i32_0 : i32, i32
  }
  func.func @transform_4(%arg0: i32) -> (i32, i32) {
    %c0_i32 = arith.constant 0 : i32
    %c0_i32_0 = arith.constant 0 : i32
    return %arg0, %c0_i32 : i32, i32
  }
}

</mosaic_0001>

<sc_bundles>
// kernel: kernel.12.cloned.1.call-start
scs
__scs_entry_jumppad:
0x0: {  	(pc) =	sbr.rel $0x88, $3  }
0x1: {  	(tag) =	ssettag $0x0;
	lr =	simm.s32 $0x1  }
0x2: {  	[smem:$0x3F9B] =	sst lr;
	_ =	strace $0xD0000000  }
0x3: {  	_ = 	snop  }
0x4: {  	_ = 	snop  }
0x5: {  	_ = 	snop  }
0x6: {  	_ = 	snop  }
0x7: {  	_ = 	snop  }
__scs_overlays_trampoline_lowered:
0x8: {  	[smem:$0x3FAA] =	sst s0  }
0x9: {  	[smem:$0x3FAB] =	sst s1  }
0xa: {  	[smem:$0x3FAC] =	sst s2  }
0xb: {  	[smem:$0x3FAD] =	sst s3  }
0xc: {  	[smem:$0x3FAE] =	sst s4  }
0xd: {  	[smem:$0x3FAF] =	sst s5  }
0xe: {  	[smem:$0x3FB0] =	sst s6  }
0xf: {  	[smem:$0x3FB1] =	sst s7  }
0x10: {  	[smem:$0x3FB2] =	sst s8  }
0x11: {  	[smem:$0x3FB3] =	sst s9;
	s0 =	simm.s32 @!p0 $0x0  }
0x12: {  	s1 =	sld [smem:$0x3F99];
	s0 =	simm.s32 @p0 $0x1  }
0x13: {  	[smem:$0x3FB4] =	sst s0;
	s0 =	simm.s32 @!p1 $0x0  }
0x14: {  	s2 =	sld [smem:$0x3F98];
	s0 =	simm.s32 @p1 $0x1  }
0x15: {  	[smem:$0x3FB5] =	sst s0;
	s0 =	simm.s32 @!p2 $0x0  }
0x16: {  	s3 =	sld [smem:$0x3FDB];
	s0 =	simm.s32 @p2 $0x1  }
0x17: {  	s4 =	simm.s32 $0x1BF5;
	[smem:$0x3FB7] =	sst s0  }
0x18: {  	s0 =	sld [smem:$0x3F9A];
	_ =	swait.ge [sflag:s4], $0x0  }
0x19: {  	s7 =	sld [smem:$0x3F9B]  }
0x1a: {  	s8 =	sadd.s32 $0xFFFFE003, lr  }
0x1b: {  	s9 =	sadd.s32 $0xFFFFFEF7, lr;
	s5 =	simm.s32 $0xFFFFFFFF;
	p2 =	slt.u32 s8, $0xFFFFF086  }
0x1c: {  	p1 =	slt.u32 s9, $0xF7A;
	s5 =	simm.s32 @!p2 $0x0  }
0x1d: {  	s5 =	simm.s32 @p1 $0x1;
	p0 =	seq.s32 s7, s2  }
0x1e: {  	s7 =	smul.u32 @!p0 $0xF7A, s2;
	p2 =	seq.s32 @!p0 s5, $0x0  }
0x1f: {  	s9 =	smul.u32 $0xF7A, s1;
	s8 =	simm.s32 @!p0 $0x1BF5;
	p2 =	por !p2, p0  }
0x20: {  	[sflag:s8] =	ssyncset.s32 @!p0 $0xFFFFF086;
	s6 =	sadd.s32 @!p0 s3, s7;
	s7 =	simm.s32 @!p0 $0x108  }
0x21: {  	s3 =	sadd.s32 s3, s9;
	s6 =	sadd.s32 @!p0 $0x88, s6;
	s7 =	simm.s32 @p2 $0x1082  }
0x22: {  	[simem:s7], [sflag:s8] =	dma.local @!p0 [hbm:s6], $0xF7A  }
0x23: {  	s9 =	sor.u32 $0xD0000000, s2;
	s6 =	simm.s32 $0x108;
	_ =	swait.ge @!p0 [sflag:s8], $0x0  }
0x24: {  	s3 =	sadd.s32 $0x88, s3;
	s6 =	simm.s32 @!p1 $0x1082;
	[sflag:s4] =	ssyncset.s32 $0xFFFFF086  }
0x25: {  	[simem:s6], [sflag:s4] =	dma.local [hbm:s3], $0xF7A  }
0x26: {  	[smem:$0x3F9B] =	sst s1;
	(tag) =	ssettag s2;
	_ =	strace s9  }
0x27: {  	s1 =	sld [smem:$0x3FAB]  }
0x28: {  	s2 =	sld [smem:$0x3FAC]  }
0x29: {  	s4 =	sld [smem:$0x3FAE]  }
0x2a: {  	p0 =	seq.s32 s5, $0x0;
	s5 =	sld [smem:$0x3FAF]  }
0x2b: {  	s6 =	sld [smem:$0x3FB0]  }
0x2c: {  	s7 =	sld [smem:$0x3FB1]  }
0x2d: {  	s3 =	simm.s32 $0x108;
	s8 =	sld [smem:$0x3FB2]  }
0x2e: {  	s3 =	simm.s32 @!p0 $0x1082;
	s9 =	sld [smem:$0x3FB3]  }
0x2f: {  	lr =	sadd.s32 s0, s3;
	s0 =	sld [smem:$0x3FAA]  }
0x30: {  	s3 =	sld [smem:$0x3FAD]  }
0x31: {  	[smem:$0x3FB6] =	sst s10  }
0x32: {  	s10 =	sld [smem:$0x3FB4];
	_ =	sdelay $0x3  }
0x33: {  	p0 =	seq.s32 s10, $0x1;
	s10 =	sld [smem:$0x3FB6];
	_ =	sdelay $0x3  }
0x34: {  	[smem:$0x3FB6] =	sst s10  }
0x35: {  	s10 =	sld [smem:$0x3FB5];
	_ =	sdelay $0x3  }
0x36: {  	p1 =	seq.s32 s10, $0x1;
	s10 =	sld [smem:$0x3FB6];
	_ =	sdelay $0x3  }
0x37: {  	[smem:$0x3FB6] =	sst s10  }
0x38: {  	s10 =	sld [smem:$0x3FB7]  }
0x39: {  	_ = 	snop;
	(pc) =	sbr.ind lr, $3  }
0x3a: {  	_ = 	snop  }
0x3b: {  	_ = 	snop  }
0x3c: {  	p2 =	seq.s32 s10, $0x1;
	s10 =	sld [smem:$0x3FB6]  }
0x3d: {  	_ =	shalt  }
0x3e: {  	_ =	shalt  }
0x3f: {  	_ =	shalt  }
0x40: {  	_ =	shalt  }
0x41: {  	_ =	shalt  }
0x42: {  	_ =	shalt  }
0x43: {  	_ =	shalt  }
0x44: {  	_ =	shalt  }
0x45: {  	_ =	shalt  }
0x46: {  	_ =	shalt  }
0x47: {  	_ =	shalt  }
0x48: {  	_ =	shalt  }
0x49: {  	_ =	shalt  }
0x4a: {  	_ =	shalt  }
0x4b: {  	_ =	shalt  }
0x4c: {  	_ =	shalt  }
0x4d: {  	_ =	shalt  }
0x4e: {  	_ =	shalt  }
0x4f: {  	_ =	shalt  }
0x50: {  	_ =	shalt  }
0x51: {  	_ =	shalt  }
0x52: {  	_ =	shalt  }
0x53: {  	_ =	shalt  }
0x54: {  	_ =	shalt  }
0x55: {  	_ =	shalt  }
0x56: {  	_ =	shalt  }
0x57: {  	_ =	shalt  }
0x58: {  	_ =	shalt  }
0x59: {  	_ =	shalt  }
0x5a: {  	_ =	shalt  }
0x5b: {  	_ =	shalt  }
0x5c: {  	_ =	shalt  }
0x5d: {  	_ =	shalt  }
0x5e: {  	_ =	shalt  }
0x5f: {  	_ =	shalt  }
0x60: {  	_ =	shalt  }
0x61: {  	_ =	shalt  }
0x62: {  	_ =	shalt  }
0x63: {  	_ =	shalt  }
0x64: {  	_ =	shalt  }
0x65: {  	_ =	shalt  }
0x66: {  	_ =	shalt  }
0x67: {  	_ =	shalt  }
0x68: {  	_ =	shalt  }
0x69: {  	_ =	shalt  }
0x6a: {  	_ =	shalt  }
0x6b: {  	_ =	shalt  }
0x6c: {  	_ =	shalt  }
0x6d: {  	_ =	shalt  }
0x6e: {  	_ =	shalt  }
0x6f: {  	_ =	shalt  }
0x70: {  	_ =	shalt  }
0x71: {  	_ =	shalt  }
0x72: {  	_ =	shalt  }
0x73: {  	_ =	shalt  }
0x74: {  	_ =	shalt  }
0x75: {  	_ =	shalt  }
0x76: {  	_ =	shalt  }
0x77: {  	_ =	shalt  }
0x78: {  	_ =	shalt  }
0x79: {  	_ =	shalt  }
0x7a: {  	_ =	shalt  }
0x7b: {  	_ =	shalt  }
0x7c: {  	_ =	shalt  }
0x7d: {  	_ =	shalt  }
0x7e: {  	_ =	shalt  }
0x7f: {  	_ =	shalt  }
0x80: {  	_ =	shalt  }
0x81: {  	_ =	shalt  }
0x82: {  	_ =	shalt  }
0x83: {  	_ =	shalt  }
0x84: {  	_ =	shalt  }
0x85: {  	_ =	shalt  }
0x86: {  	_ =	shalt  }
0x87: {  	_ =	shalt  }
.Lfunc_end0:
.L_simem_size_0:
called_computation.1_lowered:
.L_overlay_start_0:
0x88: {  	s2 =	sld [smem:$0x3FD9]  }
0x89: {  	s3 =	sld [smem:$0x3FFE];
	_ =	sdelay $0x1  }
0x8a: {  	s1 =	srdreg.scid  }
0x8b: {  	s0 =	sand.u32 $0x1, s1  }
0x8c: {  	s17 =	sshll.u32 s0, $0xA;
	s2 =	sadd.s32 s3, s2  }
0x8d: {  	s2 =	sadd.s32 s2, s17  }
0x8e: {  	[smem:$0x3FC2] =	sst s2  }
0x8f: {  	_ = 	snop  }
0x90: {  	s2 =	sld [smem:$0x3FC8]  }
0x91: {  	s18 =	sld [smem:$0x3FD0];
	(tm) =	ssettm $0x1  }
0x92: {  	s4 =	sld [smem:$0x3FFB];
	_ =	sdelay $0x3  }
0x93: {  	_ =	strace s4  }
0x94: {  	s4 =	sld [smem:$0x3FFC];
	_ =	sdelay $0x3  }
0x95: {  	_ =	strace s4  }
0x96: {  	s4 =	sld [smem:$0x3FFD];
	_ =	sdelay $0x3  }
0x97: {  	_ =	strace s4  }
0x98: {  	_ =	strace $0x8FFFFFFF  }
0x99: {  	s19 =	sld [smem:$0x3FDB];
	_ =	sdelay $0x1  }
0x9a: {  	s5 =	simm.s32 $_scs_section_size  }
0x9b: {  	s6 =	simm.s32 $_size__tile_overlayer_lowered;
	s7 =	simm.s32 $_tile_overlayer_lowered  }
0x9c: {  	s22 =	simm.s32 $0x1BFF;
	s21 =	sshll.u32 s7, $0x1;
	s4 =	sadd.s32 s5, s19  }
0x9d: {  	s8 =	simm.s32 $0x0;
	s20 =	sshll.u32 s6, $0x1;
	s6 =	sadd.s32 s21, s4  }
0x9e: {  	[timem:s8], [sflag:s22] =	dma.local [hbm:s6], s20  }
0x9f: {  	_ =	swait.ge [sflag:s22], s20  }
0xa0: {  	s5 =	ssub.s32 $0x0, s20;
	[sflag:s22] =	ssyncset.done $0x0  }
0xa1: {  	[sflag:s22] =	ssyncadd.s32 s5;
	_ =	sdelay $0x1  }
0xa2: {  	s23 =	simm.s32 $0x1B8B  }
0xa3: {  	_ =	swait.ge [sflag:s23], $0x1  }
0xa4: {  	[sflag:s23] =	ssyncset.done $0x0  }
0xa5: {  	s25 =	simm.s32 $0x1B8E;
	s24 =	sld [smem:$0x3FFE];
	[sflag:s23] =	ssyncadd.s32 $0xFFFFFFFF  }
0xa6: {  	s26 =	simm.s32 $execute0_lowered;
	[smem:$0x3FD2] =	sst s25  }
0xa7: {  	s6 =	sshll.u32 s26, $0x1;
	_ =	strace $0x80000049;
	[dreg:$0x1] =	wrdreg $0xFFFFFFFF  }
0xa8: {  	s28 =	simm.s32 $_size_execute0_lowered;
	s4 =	sadd.s32 s4, s6;
	[dreg:$0x0] =	wrdreg $0x0  }
0xa9: {  	s6 =	sshll.u32 s28, $0x1;
	[dreg:$0x2] =	wrdreg s4  }
0xaa: {  	[dreg:$0x3] =	wrdreg s6  }
0xab: {  	[dreg:$0x4] =	wrdreg $0xC0  }
0xac: {  	_ =	task [dreg:s8], $0x5FFFF  }
0xad: {  	[dreg:$0x1] =	wrdreg $0xFFFFFFFF  }
0xae: {  	[dreg:$0x0] =	wrdreg $0x60  }
0xaf: {  	[dreg:$0x2] =	wrdreg s18  }
0xb0: {  	[dreg:$0x3] =	wrdreg s2  }
0xb1: {  	[dreg:$0x4] =	wrdreg s24  }
0xb2: {  	[dreg:$0x5] =	wrdreg $0xC3000  }
0xb3: {  	[dreg:$0x6] =	wrdreg $0x9  }
0xb4: {  	_ =	task.clear_ibuf [dreg:s8], $0x7FFFF;
	_ =	strace $0x90000049  }
0xb5: {  	s29 =	simm.s32 $0x9;
	_ =	strace $0x8000004B  }
0xb6: {  	_ =	swait.ge [sflag:s29], $0x1  }
0xb7: {  	[sflag:s29] =	ssyncadd.s32 $0xFFFFFFFF  }
0xb8: {  	_ =	strace $0x9000004B  }
0xb9: {  	_ =	sfence  }
0xba: {  	s30 =	sld [smem:$0x0];
	_ =	sdelay $0x2  }
0xbb: {  	s31 =	sshll.u32 s1, $0xD;
	s1 =	sshrl.u32 s1, $0x2  }
0xbc: {  	s3 =	sand.u32 $0x4000, s31;
	s1 =	sadd.s32 s1, s30  }
0xbd: {  	s0 =	sor.u32 s3, s0;
	s1 =	sshll.u32 s1, $0x11  }
0xbe: {  	s0 =	sor.u32 s1, s0  }
0xbf: {  	s0 =	sadd.s32 $0x8F2B, s0  }
0xc0: {  	[sflag:s0] =	ssyncadd.remote.s32 $0x1  }
0xc1: {  	_ =	sfence.sel $0xFFFF  }
0xc2: {  	[dreg:$0x0] =	wrdreg $0xFFFFFFFF;
	(pc) =	sbr.abs _section_cstart, $3  }
0xc3: {  	[dreg:$0x1] =	wrdreg $0xFFFFFFFF  }
0xc4: {  	_ =	task.clear_ibuf [dreg:s8], $0x2FFFF;
	_ =	strace $0x9FFFFFFF  }
0xc5: {  	(tm) =	ssettm $0x7FFFFFFF  }
tec
execute0_lowered:
.L_overlay_start_1:
0x0: {  	(tag) =	ssettag $0x1  }
0x1: {  	s1 =	rddreg [dreg:$0x0]  }
0x2: {  	s5 =	rddreg [dreg:$0x1]  }
0x3: {  	s4 =	rddreg [dreg:$0x2]  }
0x4: {  	s0 =	srdreg.scid;
	s2 =	rddreg [dreg:$0x3]  }
0x5: {  	s3 =	simm.s32 $0x0;
	s12 =	simm.s32 $0x100;
	s13 =	simm.s32 $0x4300  }
0x6: {  	s14 =	simm.s32 $0x200;
	s15 =	simm.s32 $0x8300;
	s16 =	simm.s32 $0x1  }
0x7: {  	s17 =	simm.s32 $0x2;
	s18 =	simm.s32 $0x180;
	s19 =	simm.s32 $0x3  }
0x8: {  	s20 =	simm.s32 $0x280;
	s6 =	sand.u32 $0x1, s0;
	s0 =	rddreg [dreg:$0x4]  }
0x9: {  	[smem:$0x7FF] =	sst s3;
	s7 =	smul.u32 $0x27100, s6;
	s8 =	ssub.s32 $0x2, s6  }
0xa: {  	_ =	strace $0x8000004A;
	s30 =	smul.u32 $0x9C00, s6;
	s6 =	sshll.u32 s6, $0x4  }
0xb: {  	s29 =	sshrl.u32 s8, $0x1;
	s9 =	sadd.s32 s7, s4;
	s4 =	stileid.u32  }
0xc: {  	s7 =	ssub.s32 s8, s29;
	s8 =	sadd.s32 s30, s5;
	s10 =	sshll.u32 s4, $0x5  }
0xd: {  	s11 =	smul.u32 $0x9C0, s4;
	s21 =	sor.u32 s4, s6;
	s6 =	smax.u32 s7, $0x1  }
0xe: {  	s31 =	sadd.s32 s10, s5;
	s10 =	simm.s32 $0x80;
	p0 =	sgt.u32 s21, $0x3  }
0xf: {  	s21 =	simm.s32 $0x0;
	s5 =	sadd.s32 $0x13800, s31;
	s7 =	sadd.s32 s11, s8  }
0x10: {  	s8 =	sadd.s32 $0x50800, s9;
	s9 =	simm.s32 $0x4;
	s11 =	simm.s32 $0x300  }
.LBB2_1:
0x11: {  	s22 =	sand.u32 $0xF, s3  }
0x12: {  	p1 =	sne.s32 s22, s4  }
0x13: {  	s24 =	simm.s32 $0x1;
	s22 =	sshll.u32 @!p1 s4, $0x6  }
0x14: {  	s23 =	sshrl.u32 @!p1 s2, $0x3;
	s25 =	simm.s32 @!p1 $0x4;
	s22 =	sor.u32 @!p1 $0x1C04, s22  }
0x15: {  	[spmem:s23], [sflag:s22] =	dma.local @!p1 [hbm:s1], $0xC80  }
0x16: {  	s26 =	sand.u32 $0xF, s24;
	s24 =	sadd.s32 $0x6400, s2;
	_ =	swait.ge @!p1 [sflag:s25], $0xC80  }
0x17: {  	s23 =	simm.s32 $0x2;
	s22 =	sadd.s32 $0xC80, s1;
	[sflag:s25] =	ssyncset.done @!p1 $0x0  }
.LBB2_2:
0x18: {  	[sflag:s25] =	ssyncadd.s32 @!p1 $0xFFFFF380  }
0x19: {  	p1 =	sne.s32 s26, s4;
	s26 =	smov.u32 s23;
	s23 =	sadd.s32 $0x1, s23  }
0x1a: {  	p2 =	sne.s32 s23, $0x32  }
.Ltmp0:
0x1b: {  	s25 =	sshll.u32 @!p1 s4, $0x6;
	s28 =	sshrl.u32 @!p1 s24, $0x3;
	(pc) =	sbr.rel @p2 .LBB2_2-.Ltmp0, $4  }
0x1c: {  	s29 =	sor.u32 @!p1 $0x1C04, s25;
	s25 =	simm.s32 @!p1 $0x4  }
0x1d: {  	[spmem:s28], [sflag:s29] =	dma.local @!p1 [hbm:s22], $0xC80  }
0x1e: {  	s22 =	sadd.s32 $0xC80, s22;
	_ =	swait.ge @!p1 [sflag:s25], $0xC80  }
0x1f: {  	s26 =	sand.u32 $0xF, s26;
	s24 =	sadd.s32 $0x6400, s24;
	[sflag:s25] =	ssyncset.done @!p1 $0x0  }
0x20: {  	p2 =	sne.s32 s26, s4  }
0x21: {  	[sflag:s25] =	ssyncadd.s32 @!p1 $0xFFFFF380;
	s23 =	sshll.u32 @!p2 s4, $0x6  }
0x22: {  	s24 =	sshrl.u32 @!p2 s24, $0x3;
	s25 =	simm.s32 @!p2 $0x4;
	s23 =	sor.u32 @!p2 $0x1C04, s23  }
0x23: {  	[spmem:s24], [sflag:s23] =	dma.local @!p2 [hbm:s22], $0xC80  }
0x24: {  	_ =	swait.ge @!p2 [sflag:s25], $0xC80  }
0x25: {  	[sflag:s25] =	ssyncset.done @!p2 $0x0  }
0x26: {  	[sflag:s25] =	ssyncadd.s32 @!p2 $0xFFFFF380  }
0x27: {  	s30 =	sadd.s32 $0x0, s7;
	[bflag:$0x0] =	sbarrier.arrive $0xFFFF  }
0x28: {  	[tilespmem:s3], [sflag:$0x4] =	stream.linear.gather [hbm4b:s30+s3], $0x100, $0x38;
	[tilespmem:$0x1FB80] =	vst v63  }
0x29: {  	_ =	swait.ge [sflag:s9], $0x100  }
0x2a: {  	[sflag:s9] =	ssyncset.done $0x0  }
0x2b: {  	[sflag:s9] =	ssyncadd.s32 $0xFFFFFF00  }
0x2c: {  	[tilespmem:s11], [sflag:$0x1] =	stream.indirect.gather [hbm4b:s1+s10], $0x80, s3, s10, $0xb8;
	[tilespmem:$0x1FB80] =	vst v63  }
0x2d: {  	s31 =	sadd.s32 $0x20, s30  }
0x2e: {  	[tilespmem:s12], [sflag:$0x4] =	stream.linear.gather [hbm4b:s31+s3], $0x100, $0x38;
	[tilespmem:$0x1FB80] =	vst v63  }
0x2f: {  	_ =	swait.ge [sflag:s9], $0x100  }
0x30: {  	[sflag:s9] =	ssyncset.done $0x0  }
0x31: {  	[sflag:s9] =	ssyncadd.s32 $0xFFFFFF00  }
0x32: {  	[tilespmem:s13], [sflag:$0x2] =	stream.indirect.gather [hbm4b:s1+s10], $0x80, s12, s10, $0xb8;
	[tilespmem:$0x1FB80] =	vst v63  }
0x33: {  	s22 =	sadd.s32 $0x40, s30  }
0x34: {  	[tilespmem:s14], [sflag:$0x4] =	stream.linear.gather [hbm4b:s22+s3], $0x100, $0x38;
	[tilespmem:$0x1FB80] =	vst v63  }
0x35: {  	_ =	swait.ge [sflag:s9], $0x100  }
0x36: {  	[sflag:s9] =	ssyncset.done $0x0  }
0x37: {  	[sflag:s9] =	ssyncadd.s32 $0xFFFFFF00  }
0x38: {  	[tilespmem:s15], [sflag:$0x3] =	stream.indirect.gather [hbm4b:s1+s10], $0x80, s14, s10, $0xb8;
	[tilespmem:$0x1FB80] =	vst v63  }
0x39: {  	_ =	swait.ge [sflag:s16], $0x4000  }
0x3a: {  	[sflag:s16] =	ssyncset.done $0x0  }
0x3b: {  	[sflag:s16] =	ssyncadd.s32 $0xFFFFC000  }
0x3c: {  	[spmem:s2] =	stream.indirect.scatter.add.f32 [tilespmem:s11], [sflag:$0x4], $0x80, s10, s10, $0xb8;
	[tilespmem:$0x1FB80] =	vst v63  }
0x3d: {  	_ =	swait.ge [sflag:s9], $0x4000  }
0x3e: {  	[sflag:s9] =	ssyncset.done $0x0  }
0x3f: {  	[sflag:s9] =	ssyncadd.s32 $0xFFFFC000  }
0x40: {  	_ =	swait.ge [sflag:s17], $0x4000  }
0x41: {  	[sflag:s17] =	ssyncset.done $0x0  }
0x42: {  	[sflag:s17] =	ssyncadd.s32 $0xFFFFC000  }
0x43: {  	[spmem:s2] =	stream.indirect.scatter.add.f32 [tilespmem:s13], [sflag:$0x4], $0x80, s18, s10, $0xb8;
	[tilespmem:$0x1FB80] =	vst v63  }
0x44: {  	_ =	swait.ge [sflag:s9], $0x4000  }
0x45: {  	[sflag:s9] =	ssyncset.done $0x0  }
0x46: {  	[sflag:s9] =	ssyncadd.s32 $0xFFFFC000  }
0x47: {  	_ =	swait.ge [sflag:s19], $0x4000  }
0x48: {  	[sflag:s19] =	ssyncset.done $0x0  }
0x49: {  	[sflag:s19] =	ssyncadd.s32 $0xFFFFC000  }
0x4a: {  	[spmem:s2] =	stream.indirect.scatter.add.f32 [tilespmem:s15], [sflag:$0x4], $0x80, s20, s10, $0xb8;
	[tilespmem:$0x1FB80] =	vst v63  }
0x4b: {  	_ =	swait.ge [sflag:s9], $0x4000  }
0x4c: {  	s24 =	simm.s32 $0xC0;
	s22 =	simm.s32 $0x60;
	[sflag:s9] =	ssyncset.done $0x0  }
.LBB2_4:
0x4d: {  	s25 =	sadd.s32 s22, s7  }
0x4e: {  	[sflag:s9] =	ssyncadd.s32 $0xFFFFC000;
	s22 =	smov.u32 s24;
	s23 =	sadd.s32 $0x60, s24  }
0x4f: {  	[tilespmem:s3], [sflag:$0x4] =	stream.linear.gather [hbm4b:s25+s3], $0x100, $0x38;
	[tilespmem:$0x1FB80] =	vst v63  }
0x50: {  	p1 =	sne.s32 s24, $0x960;
	_ =	swait.ge [sflag:s9], $0x100  }
0x51: {  	[sflag:s9] =	ssyncset.done $0x0  }
0x52: {  	[sflag:s9] =	ssyncadd.s32 $0xFFFFFF00  }
0x53: {  	[tilespmem:s11], [sflag:$0x1] =	stream.indirect.gather [hbm4b:s1+s10], $0x80, s3, s10, $0xb8;
	[tilespmem:$0x1FB80] =	vst v63  }
0x54: {  	s24 =	sadd.s32 $0x20, s25  }
0x55: {  	[tilespmem:s12], [sflag:$0x4] =	stream.linear.gather [hbm4b:s24+s3], $0x100, $0x38;
	[tilespmem:$0x1FB80] =	vst v63  }
0x56: {  	_ =	swait.ge [sflag:s9], $0x100  }
0x57: {  	[sflag:s9] =	ssyncset.done $0x0  }
0x58: {  	[sflag:s9] =	ssyncadd.s32 $0xFFFFFF00  }
0x59: {  	[tilespmem:s13], [sflag:$0x2] =	stream.indirect.gather [hbm4b:s1+s10], $0x80, s12, s10, $0xb8;
	[tilespmem:$0x1FB80] =	vst v63  }
0x5a: {  	s24 =	sadd.s32 $0x40, s25  }
0x5b: {  	[tilespmem:s14], [sflag:$0x4] =	stream.linear.gather [hbm4b:s24+s3], $0x100, $0x38;
	[tilespmem:$0x1FB80] =	vst v63  }
0x5c: {  	_ =	swait.ge [sflag:s9], $0x100  }
0x5d: {  	[sflag:s9] =	ssyncset.done $0x0  }
0x5e: {  	[sflag:s9] =	ssyncadd.s32 $0xFFFFFF00  }
0x5f: {  	[tilespmem:s15], [sflag:$0x3] =	stream.indirect.gather [hbm4b:s1+s10], $0x80, s14, s10, $0xb8;
	[tilespmem:$0x1FB80] =	vst v63  }
0x60: {  	_ =	swait.ge [sflag:s16], $0x4000  }
0x61: {  	[sflag:s16] =	ssyncset.done $0x0  }
0x62: {  	[sflag:s16] =	ssyncadd.s32 $0xFFFFC000  }
0x63: {  	[spmem:s2] =	stream.indirect.scatter.add.f32 [tilespmem:s11], [sflag:$0x4], $0x80, s10, s10, $0xb8;
	[tilespmem:$0x1FB80] =	vst v63  }
0x64: {  	_ =	swait.ge [sflag:s9], $0x4000  }
0x65: {  	[sflag:s9] =	ssyncset.done $0x0  }
0x66: {  	[sflag:s9] =	ssyncadd.s32 $0xFFFFC000  }
0x67: {  	_ =	swait.ge [sflag:s17], $0x4000  }
0x68: {  	[sflag:s17] =	ssyncset.done $0x0  }
0x69: {  	[sflag:s17] =	ssyncadd.s32 $0xFFFFC000  }
0x6a: {  	[spmem:s2] =	stream.indirect.scatter.add.f32 [tilespmem:s13], [sflag:$0x4], $0x80, s18, s10, $0xb8;
	[tilespmem:$0x1FB80] =	vst v63  }
0x6b: {  	_ =	swait.ge [sflag:s9], $0x4000  }
0x6c: {  	[sflag:s9] =	ssyncset.done $0x0  }
0x6d: {  	[sflag:s9] =	ssyncadd.s32 $0xFFFFC000  }
0x6e: {  	_ =	swait.ge [sflag:s19], $0x4000  }
.Ltmp1:
0x6f: {  	[sflag:s19] =	ssyncset.done $0x0;
	(pc) =	sbr.rel @p1 .LBB2_4-.Ltmp1, $4  }
0x70: {  	[sflag:s19] =	ssyncadd.s32 $0xFFFFC000  }
0x71: {  	[spmem:s2] =	stream.indirect.scatter.add.f32 [tilespmem:s15], [sflag:$0x4], $0x80, s20, s10, $0xb8;
	[tilespmem:$0x1FB80] =	vst v63  }
0x72: {  	_ =	swait.ge [sflag:s9], $0x4000  }
0x73: {  	s24 =	smov.u32 s23;
	[sflag:s9] =	ssyncset.done $0x0  }
0x74: {  	s22 =	sadd.s32 s22, s7;
	[sflag:s9] =	ssyncadd.s32 $0xFFFFC000  }
0x75: {  	[tilespmem:s3], [sflag:$0x4] =	stream.linear.gather [hbm4b:s22+s3], $0x100, $0x38;
	[tilespmem:$0x1FB80] =	vst v63  }
0x76: {  	_ =	swait.ge [sflag:s9], $0x100  }
0x77: {  	[sflag:s9] =	ssyncset.done $0x0  }
0x78: {  	[sflag:s9] =	ssyncadd.s32 $0xFFFFFF00  }
0x79: {  	[tilespmem:s11], [sflag:$0x1] =	stream.indirect.gather [hbm4b:s1+s10], $0x80, s3, s10, $0xb8;
	[tilespmem:$0x1FB80] =	vst v63  }
0x7a: {  	s23 =	sadd.s32 $0x20, s22  }
0x7b: {  	[tilespmem:s12], [sflag:$0x4] =	stream.linear.gather [hbm4b:s23+s3], $0x100, $0x38;
	[tilespmem:$0x1FB80] =	vst v63  }
0x7c: {  	_ =	swait.ge [sflag:s9], $0x100  }
0x7d: {  	[sflag:s9] =	ssyncset.done $0x0  }
0x7e: {  	[sflag:s9] =	ssyncadd.s32 $0xFFFFFF00  }
0x7f: {  	[tilespmem:s13], [sflag:$0x2] =	stream.indirect.gather [hbm4b:s1+s10], $0x80, s12, s10, $0xb8;
	[tilespmem:$0x1FB80] =	vst v63  }
0x80: {  	s22 =	sadd.s32 $0x40, s22  }
0x81: {  	[tilespmem:s14], [sflag:$0x4] =	stream.linear.gather [hbm4b:s22+s3], $0x100, $0x38;
	[tilespmem:$0x1FB80] =	vst v63  }
0x82: {  	_ =	swait.ge [sflag:s9], $0x100  }
0x83: {  	[sflag:s9] =	ssyncset.done $0x0  }
0x84: {  	[sflag:s9] =	ssyncadd.s32 $0xFFFFFF00  }
0x85: {  	[tilespmem:s15], [sflag:$0x3] =	stream.indirect.gather [hbm4b:s1+s10], $0x80, s14, s10, $0xb8;
	[tilespmem:$0x1FB80] =	vst v63  }
0x86: {  	_ =	swait.ge [sflag:s16], $0x4000  }
0x87: {  	[sflag:s16] =	ssyncset.done $0x0  }
0x88: {  	[sflag:s16] =	ssyncadd.s32 $0xFFFFC000  }
0x89: {  	[spmem:s2] =	stream.indirect.scatter.add.f32 [tilespmem:s11], [sflag:$0x4], $0x80, s10, s10, $0xb8;
	[tilespmem:$0x1FB80] =	vst v63  }
0x8a: {  	_ =	swait.ge [sflag:s9], $0x4000  }
0x8b: {  	[sflag:s9] =	ssyncset.done $0x0  }
0x8c: {  	[sflag:s9] =	ssyncadd.s32 $0xFFFFC000  }
0x8d: {  	_ =	swait.ge [sflag:s17], $0x4000  }
0x8e: {  	[sflag:s17] =	ssyncset.done $0x0  }
0x8f: {  	[sflag:s17] =	ssyncadd.s32 $0xFFFFC000  }
0x90: {  	[spmem:s2] =	stream.indirect.scatter.add.f32 [tilespmem:s13], [sflag:$0x4], $0x80, s18, s10, $0xb8;
	[tilespmem:$0x1FB80] =	vst v63  }
0x91: {  	_ =	swait.ge [sflag:s9], $0x4000  }
0x92: {  	[sflag:s9] =	ssyncset.done $0x0  }
0x93: {  	[sflag:s9] =	ssyncadd.s32 $0xFFFFC000  }
0x94: {  	_ =	swait.ge [sflag:s19], $0x4000  }
0x95: {  	[sflag:s19] =	ssyncset.done $0x0  }
0x96: {  	[sflag:s19] =	ssyncadd.s32 $0xFFFFC000  }
0x97: {  	[spmem:s2] =	stream.indirect.scatter.add.f32 [tilespmem:s15], [sflag:$0x4], $0x80, s20, s10, $0xb8;
	[tilespmem:$0x1FB80] =	vst v63  }
0x98: {  	_ =	swait.ge [sflag:s9], $0x4000  }
0x99: {  	[sflag:s9] =	ssyncset.done $0x0  }
0x9a: {  	s23 =	simm.s32 @!p0 $0x4;
	s22 =	simm.s32 @!p0 $0x0;
	[sflag:s9] =	ssyncadd.s32 $0xFFFFC000  }
0x9b: {  	[tilespmem:s22], [sflag:$0x4] =	stream.linear.gather @!p0 [hbm4b:s5+s22], $0x100, $0x38;
	[tilespmem:$0x1FB80] =	vst v63  }
0x9c: {  	_ =	swait.ge @!p0 [sflag:s23], $0x100  }
0x9d: {  	[sflag:s23] =	ssyncset.done @!p0 $0x0  }
0x9e: {  	s24 =	simm.s32 @!p0 $0x80;
	s25 =	simm.s32 @!p0 $0x300;
	[sflag:s23] =	ssyncadd.s32 @!p0 $0xFFFFFF00  }
0x9f: {  	[tilespmem:s25], [sflag:$0x1] =	stream.indirect.gather @!p0 [hbm4b:s1+s24], $0x80, s22, s24, $0xb8;
	[tilespmem:$0x1FB80] =	vst v63  }
0xa0: {  	s22 =	simm.s32 @!p0 $0x1  }
0xa1: {  	_ =	swait.ge @!p0 [sflag:s22], $0x4000  }
0xa2: {  	[sflag:s22] =	ssyncset.done @!p0 $0x0  }
0xa3: {  	s30 =	simm.s32 $0x0;
	[sflag:s22] =	ssyncadd.s32 @!p0 $0xFFFFC000  }
0xa4: {  	[spmem:s2] =	stream.indirect.scatter.add.f32 @!p0 [tilespmem:s25], [sflag:$0x4], $0x80, s24, s24, $0xb8;
	[tilespmem:$0x1FB80] =	vst v63  }
0xa5: {  	s22 =	sand.u32 $0xF, s30;
	_ =	swait.ge @!p0 [sflag:s23], $0x4000  }
0xa6: {  	s31 =	simm.s32 $0x1;
	p1 =	sne.s32 s22, s4;
	[sflag:s23] =	ssyncset.done @!p0 $0x0  }
0xa7: {  	s22 =	sshll.u32 @!p1 s4, $0x6;
	s25 =	simm.s32 @!p1 $0x4;
	[sflag:s23] =	ssyncadd.s32 @!p0 $0xFFFFC000  }
0xa8: {  	s22 =	sor.u32 @!p1 $0x1C04, s22;
	s23 =	sshrl.u32 @!p1 s2, $0x3;
	[bflag:$0x0] =	sbarrier.arrive $0xFFFF  }
0xa9: {  	[hbm:s8], [sflag:s22] =	dma.local @!p1 [spmem:s23], $0xC80  }
0xaa: {  	s26 =	sand.u32 $0xF, s31;
	s24 =	sadd.s32 $0x6400, s2;
	_ =	swait.ge @!p1 [sflag:s25], $0xC80  }
0xab: {  	s23 =	simm.s32 $0x2;
	s22 =	sadd.s32 $0xC80, s8;
	[sflag:s25] =	ssyncset.done @!p1 $0x0  }
.LBB2_6:
0xac: {  	[sflag:s25] =	ssyncadd.s32 @!p1 $0xFFFFF380  }
0xad: {  	p1 =	sne.s32 s26, s4;
	s26 =	smov.u32 s23;
	s23 =	sadd.s32 $0x1, s23  }
0xae: {  	p2 =	sne.s32 s23, $0x32  }
.Ltmp2:
0xaf: {  	s25 =	sshll.u32 @!p1 s4, $0x6;
	s28 =	sshrl.u32 @!p1 s24, $0x3;
	(pc) =	sbr.rel @p2 .LBB2_6-.Ltmp2, $4  }
0xb0: {  	s29 =	sor.u32 @!p1 $0x1C04, s25;
	s25 =	simm.s32 @!p1 $0x4  }
0xb1: {  	[hbm:s22], [sflag:s29] =	dma.local @!p1 [spmem:s28], $0xC80  }
0xb2: {  	s22 =	sadd.s32 $0xC80, s22;
	_ =	swait.ge @!p1 [sflag:s25], $0xC80  }
0xb3: {  	s26 =	sand.u32 $0xF, s26;
	s24 =	sadd.s32 $0x6400, s24;
	[sflag:s25] =	ssyncset.done @!p1 $0x0  }
0xb4: {  	p2 =	sne.s32 s26, s4;
	[sflag:s25] =	ssyncadd.s32 @!p1 $0xFFFFF380;
	s21 =	sadd.s32 $0x1, s21  }
0xb5: {  	s23 =	sshll.u32 @!p2 s4, $0x6;
	s24 =	sshrl.u32 @!p2 s24, $0x3;
	p1 =	sne.s32 s21, s6  }
.Ltmp3:
0xb6: {  	s25 =	simm.s32 @!p2 $0x4;
	s23 =	sor.u32 @!p2 $0x1C04, s23;
	(pc) =	sbr.rel @p1 .LBB2_1-.Ltmp3, $4  }
0xb7: {  	[hbm:s22], [sflag:s23] =	dma.local @!p2 [spmem:s24], $0xC80  }
0xb8: {  	_ =	swait.ge @!p2 [sflag:s25], $0xC80  }
0xb9: {  	[sflag:s25] =	ssyncset.done @!p2 $0x0  }
0xba: {  	[sflag:s25] =	ssyncadd.s32 @!p2 $0xFFFFF380  }
0xbb: {  	_ =	sfence.sel $0x180000  }
0xbc: {  	[bflag:$0x0] =	sbarrier.arrive $0xFFFF  }
0xbd: {  	p0 =	sne.s32 s4, $0x0;
	_ =	strace $0x9000004A  }
0xbe: {  	s0 =	sadd.s32 @!p0 $0x100000, s0;
	[bflag:$0x2] =	sbarrier.arrive $0xFFFF  }
0xbf: {  	[sflag:s0] =	ssyncadd.tile.s32 @!p0 $0x1;
	_ =	shalt  }
.Lfunc_end2:
_tile_overlayer_lowered:
.L_overlay_start_2:
0xc0: {  	(tag) =	ssettag $0x2  }
0xc1: {  	s0 =	rddreg [dreg:$0x0];
	s2 =	stileid.u32  }
0xc2: {  	s1 =	rddreg [dreg:$0x1];
	p0 =	sne.s32 s2, $0x0  }
0xc3: {  	s3 =	rddreg [dreg:$0x2];
	[bflag:$0x3] =	sbarrier.arrive $0xFFFF;
	s2 =	simm.s32 @!p0 $0x1C04  }
0xc4: {  	[timem:s3], [sflag:s2] =	dma.local @!p0 [hbm:s0], s1  }
0xc5: {  	s0 =	simm.s32 @!p0 $0x4  }
0xc6: {  	_ =	swait.ge @!p0 [sflag:s0], s1  }
0xc7: {  	s1 =	ssub.s32 @!p0 $0x0, s1;
	[sflag:s0] =	ssyncset.done @!p0 $0x0  }
0xc8: {  	[sflag:s0] =	ssyncadd.s32 @!p0 s1  }
0xc9: {  	[bflag:$0x3] =	sbarrier.arrive $0xFFFF  }
0xca: {  	_ =	shalt  }

// kernel: kernel.15.cloned.1.call-start
scs
__scs_entry_jumppad:
0x0: {  	(pc) =	sbr.rel $0x88, $3  }
0x1: {  	(tag) =	ssettag $0x0;
	lr =	simm.s32 $0x1  }
0x2: {  	[smem:$0x3F9B] =	sst lr;
	_ =	strace $0xD0000000  }
0x3: {  	_ = 	snop  }
0x4: {  	_ = 	snop  }
0x5: {  	_ = 	snop  }
0x6: {  	_ = 	snop  }
0x7: {  	_ = 	snop  }
__scs_overlays_trampoline_lowered:
0x8: {  	[smem:$0x3FAA] =	sst s0  }
0x9: {  	[smem:$0x3FAB] =	sst s1  }
0xa: {  	[smem:$0x3FAC] =	sst s2  }
0xb: {  	[smem:$0x3FAD] =	sst s3  }
0xc: {  	[smem:$0x3FAE] =	sst s4  }
0xd: {  	[smem:$0x3FAF] =	sst s5  }
0xe: {  	[smem:$0x3FB0] =	sst s6  }
0xf: {  	[smem:$0x3FB1] =	sst s7  }
0x10: {  	[smem:$0x3FB2] =	sst s8  }
0x11: {  	[smem:$0x3FB3] =	sst s9;
	s0 =	simm.s32 @!p0 $0x0  }
0x12: {  	s1 =	sld [smem:$0x3F99];
	s0 =	simm.s32 @p0 $0x1  }
0x13: {  	[smem:$0x3FB4] =	sst s0;
	s0 =	simm.s32 @!p1 $0x0  }
0x14: {  	s2 =	sld [smem:$0x3F98];
	s0 =	simm.s32 @p1 $0x1  }
0x15: {  	[smem:$0x3FB5] =	sst s0;
	s0 =	simm.s32 @!p2 $0x0  }
0x16: {  	s3 =	sld [smem:$0x3FDB];
	s0 =	simm.s32 @p2 $0x1  }
0x17: {  	s4 =	simm.s32 $0x1BF5;
	[smem:$0x3FB7] =	sst s0  }
0x18: {  	s0 =	sld [smem:$0x3F9A];
	_ =	swait.ge [sflag:s4], $0x0  }
0x19: {  	s7 =	sld [smem:$0x3F9B]  }
0x1a: {  	s8 =	sadd.s32 $0xFFFFE003, lr  }
0x1b: {  	s9 =	sadd.s32 $0xFFFFFEF7, lr;
	s5 =	simm.s32 $0xFFFFFFFF;
	p2 =	slt.u32 s8, $0xFFFFF086  }
0x1c: {  	p1 =	slt.u32 s9, $0xF7A;
	s5 =	simm.s32 @!p2 $0x0  }
0x1d: {  	s5 =	simm.s32 @p1 $0x1;
	p0 =	seq.s32 s7, s2  }
0x1e: {  	s7 =	smul.u32 @!p0 $0xF7A, s2;
	p2 =	seq.s32 @!p0 s5, $0x0  }
0x1f: {  	s9 =	smul.u32 $0xF7A, s1;
	s8 =	simm.s32 @!p0 $0x1BF5;
	p2 =	por !p2, p0  }
0x20: {  	[sflag:s8] =	ssyncset.s32 @!p0 $0xFFFFF086;
	s6 =	sadd.s32 @!p0 s3, s7;
	s7 =	simm.s32 @!p0 $0x108  }
0x21: {  	s3 =	sadd.s32 s3, s9;
	s6 =	sadd.s32 @!p0 $0x88, s6;
	s7 =	simm.s32 @p2 $0x1082  }
0x22: {  	[simem:s7], [sflag:s8] =	dma.local @!p0 [hbm:s6], $0xF7A  }
0x23: {  	s9 =	sor.u32 $0xD0000000, s2;
	s6 =	simm.s32 $0x108;
	_ =	swait.ge @!p0 [sflag:s8], $0x0  }
0x24: {  	s3 =	sadd.s32 $0x88, s3;
	s6 =	simm.s32 @!p1 $0x1082;
	[sflag:s4] =	ssyncset.s32 $0xFFFFF086  }
0x25: {  	[simem:s6], [sflag:s4] =	dma.local [hbm:s3], $0xF7A  }
0x26: {  	[smem:$0x3F9B] =	sst s1;
	(tag) =	ssettag s2;
	_ =	strace s9  }
0x27: {  	s1 =	sld [smem:$0x3FAB]  }
0x28: {  	s2 =	sld [smem:$0x3FAC]  }
0x29: {  	s4 =	sld [smem:$0x3FAE]  }
0x2a: {  	p0 =	seq.s32 s5, $0x0;
	s5 =	sld [smem:$0x3FAF]  }
0x2b: {  	s6 =	sld [smem:$0x3FB0]  }
0x2c: {  	s7 =	sld [smem:$0x3FB1]  }
0x2d: {  	s3 =	simm.s32 $0x108;
	s8 =	sld [smem:$0x3FB2]  }
0x2e: {  	s3 =	simm.s32 @!p0 $0x1082;
	s9 =	sld [smem:$0x3FB3]  }
0x2f: {  	lr =	sadd.s32 s0, s3;
	s0 =	sld [smem:$0x3FAA]  }
0x30: {  	s3 =	sld [smem:$0x3FAD]  }
0x31: {  	[smem:$0x3FB6] =	sst s10  }
0x32: {  	s10 =	sld [smem:$0x3FB4];
	_ =	sdelay $0x3  }
0x33: {  	p0 =	seq.s32 s10, $0x1;
	s10 =	sld [smem:$0x3FB6];
	_ =	sdelay $0x3  }
0x34: {  	[smem:$0x3FB6] =	sst s10  }
0x35: {  	s10 =	sld [smem:$0x3FB5];
	_ =	sdelay $0x3  }
0x36: {  	p1 =	seq.s32 s10, $0x1;
	s10 =	sld [smem:$0x3FB6];
	_ =	sdelay $0x3  }
0x37: {  	[smem:$0x3FB6] =	sst s10  }
0x38: {  	s10 =	sld [smem:$0x3FB7]  }
0x39: {  	_ = 	snop;
	(pc) =	sbr.ind lr, $3  }
0x3a: {  	_ = 	snop  }
0x3b: {  	_ = 	snop  }
0x3c: {  	p2 =	seq.s32 s10, $0x1;
	s10 =	sld [smem:$0x3FB6]  }
0x3d: {  	_ =	shalt  }
0x3e: {  	_ =	shalt  }
0x3f: {  	_ =	shalt  }
0x40: {  	_ =	shalt  }
0x41: {  	_ =	shalt  }
0x42: {  	_ =	shalt  }
0x43: {  	_ =	shalt  }
0x44: {  	_ =	shalt  }
0x45: {  	_ =	shalt  }
0x46: {  	_ =	shalt  }
0x47: {  	_ =	shalt  }
0x48: {  	_ =	shalt  }
0x49: {  	_ =	shalt  }
0x4a: {  	_ =	shalt  }
0x4b: {  	_ =	shalt  }
0x4c: {  	_ =	shalt  }
0x4d: {  	_ =	shalt  }
0x4e: {  	_ =	shalt  }
0x4f: {  	_ =	shalt  }
0x50: {  	_ =	shalt  }
0x51: {  	_ =	shalt  }
0x52: {  	_ =	shalt  }
0x53: {  	_ =	shalt  }
0x54: {  	_ =	shalt  }
0x55: {  	_ =	shalt  }
0x56: {  	_ =	shalt  }
0x57: {  	_ =	shalt  }
0x58: {  	_ =	shalt  }
0x59: {  	_ =	shalt  }
0x5a: {  	_ =	shalt  }
0x5b: {  	_ =	shalt  }
0x5c: {  	_ =	shalt  }
0x5d: {  	_ =	shalt  }
0x5e: {  	_ =	shalt  }
0x5f: {  	_ =	shalt  }
0x60: {  	_ =	shalt  }
0x61: {  	_ =	shalt  }
0x62: {  	_ =	shalt  }
0x63: {  	_ =	shalt  }
0x64: {  	_ =	shalt  }
0x65: {  	_ =	shalt  }
0x66: {  	_ =	shalt  }
0x67: {  	_ =	shalt  }
0x68: {  	_ =	shalt  }
0x69: {  	_ =	shalt  }
0x6a: {  	_ =	shalt  }
0x6b: {  	_ =	shalt  }
0x6c: {  	_ =	shalt  }
0x6d: {  	_ =	shalt  }
0x6e: {  	_ =	shalt  }
0x6f: {  	_ =	shalt  }
0x70: {  	_ =	shalt  }
0x71: {  	_ =	shalt  }
0x72: {  	_ =	shalt  }
0x73: {  	_ =	shalt  }
0x74: {  	_ =	shalt  }
0x75: {  	_ =	shalt  }
0x76: {  	_ =	shalt  }
0x77: {  	_ =	shalt  }
0x78: {  	_ =	shalt  }
0x79: {  	_ =	shalt  }
0x7a: {  	_ =	shalt  }
0x7b: {  	_ =	shalt  }
0x7c: {  	_ =	shalt  }
0x7d: {  	_ =	shalt  }
0x7e: {  	_ =	shalt  }
0x7f: {  	_ =	shalt  }
0x80: {  	_ =	shalt  }
0x81: {  	_ =	shalt  }
0x82: {  	_ =	shalt  }
0x83: {  	_ =	shalt  }
0x84: {  	_ =	shalt  }
0x85: {  	_ =	shalt  }
0x86: {  	_ =	shalt  }
0x87: {  	_ =	shalt  }
.Lfunc_end0:
.L_simem_size_0:
called_computation.2_lowered:
.L_overlay_start_0:
0x88: {  	s2 =	sld [smem:$0x3FD9]  }
0x89: {  	s3 =	sld [smem:$0x3FFE];
	_ =	sdelay $0x1  }
0x8a: {  	s1 =	srdreg.scid  }
0x8b: {  	s0 =	sand.u32 $0x1, s1  }
0x8c: {  	s17 =	sshll.u32 s0, $0xA;
	s2 =	sadd.s32 s3, s2  }
0x8d: {  	s2 =	sadd.s32 s2, s17  }
0x8e: {  	[smem:$0x3FC2] =	sst s2  }
0x8f: {  	_ = 	snop  }
0x90: {  	s2 =	sld [smem:$0x3FC8]  }
0x91: {  	s18 =	sld [smem:$0x3FD0];
	(tm) =	ssettm $0x1  }
0x92: {  	s4 =	sld [smem:$0x3FFB];
	_ =	sdelay $0x3  }
0x93: {  	_ =	strace s4  }
0x94: {  	s4 =	sld [smem:$0x3FFC];
	_ =	sdelay $0x3  }
0x95: {  	_ =	strace s4  }
0x96: {  	s4 =	sld [smem:$0x3FFD];
	_ =	sdelay $0x3  }
0x97: {  	_ =	strace s4  }
0x98: {  	_ =	strace $0x8FFFFFFF  }
0x99: {  	s19 =	sld [smem:$0x3FDB];
	_ =	sdelay $0x1  }
0x9a: {  	s5 =	simm.s32 $_scs_section_size  }
0x9b: {  	s6 =	simm.s32 $_size__tile_overlayer_lowered;
	s7 =	simm.s32 $_tile_overlayer_lowered  }
0x9c: {  	s22 =	simm.s32 $0x1BFF;
	s21 =	sshll.u32 s7, $0x1;
	s4 =	sadd.s32 s5, s19  }
0x9d: {  	s8 =	simm.s32 $0x0;
	s20 =	sshll.u32 s6, $0x1;
	s6 =	sadd.s32 s21, s4  }
0x9e: {  	[timem:s8], [sflag:s22] =	dma.local [hbm:s6], s20  }
0x9f: {  	_ =	swait.ge [sflag:s22], s20  }
0xa0: {  	s5 =	ssub.s32 $0x0, s20;
	[sflag:s22] =	ssyncset.done $0x0  }
0xa1: {  	[sflag:s22] =	ssyncadd.s32 s5;
	_ =	sdelay $0x1  }
0xa2: {  	s23 =	simm.s32 $0x1B8B  }
0xa3: {  	_ =	swait.ge [sflag:s23], $0x1  }
0xa4: {  	[sflag:s23] =	ssyncset.done $0x0  }
0xa5: {  	s25 =	simm.s32 $0x1B8E;
	s24 =	sld [smem:$0x3FFE];
	[sflag:s23] =	ssyncadd.s32 $0xFFFFFFFF  }
0xa6: {  	s26 =	simm.s32 $execute0_lowered;
	[smem:$0x3FD2] =	sst s25  }
0xa7: {  	s6 =	sshll.u32 s26, $0x1;
	_ =	strace $0x8000004C;
	[dreg:$0x1] =	wrdreg $0xFFFFFFFF  }
0xa8: {  	s28 =	simm.s32 $_size_execute0_lowered;
	s4 =	sadd.s32 s4, s6;
	[dreg:$0x0] =	wrdreg $0x0  }
0xa9: {  	s6 =	sshll.u32 s28, $0x1;
	[dreg:$0x2] =	wrdreg s4  }
0xaa: {  	[dreg:$0x3] =	wrdreg s6  }
0xab: {  	[dreg:$0x4] =	wrdreg $0xC0  }
0xac: {  	_ =	task [dreg:s8], $0x5FFFF  }
0xad: {  	[dreg:$0x1] =	wrdreg $0xFFFFFFFF  }
0xae: {  	[dreg:$0x0] =	wrdreg $0x60  }
0xaf: {  	[dreg:$0x2] =	wrdreg s18  }
0xb0: {  	[dreg:$0x3] =	wrdreg s2  }
0xb1: {  	[dreg:$0x4] =	wrdreg s24  }
0xb2: {  	[dreg:$0x5] =	wrdreg $0xC3000  }
0xb3: {  	[dreg:$0x6] =	wrdreg $0x9  }
0xb4: {  	_ =	task.clear_ibuf [dreg:s8], $0x7FFFF;
	_ =	strace $0x9000004C  }
0xb5: {  	s29 =	simm.s32 $0x9;
	_ =	strace $0x8000004E  }
0xb6: {  	_ =	swait.ge [sflag:s29], $0x1  }
0xb7: {  	[sflag:s29] =	ssyncadd.s32 $0xFFFFFFFF  }
0xb8: {  	_ =	strace $0x9000004E  }
0xb9: {  	_ =	sfence  }
0xba: {  	s30 =	sld [smem:$0x0];
	_ =	sdelay $0x2  }
0xbb: {  	s31 =	sshll.u32 s1, $0xD;
	s1 =	sshrl.u32 s1, $0x2  }
0xbc: {  	s3 =	sand.u32 $0x4000, s31;
	s1 =	sadd.s32 s1, s30  }
0xbd: {  	s0 =	sor.u32 s3, s0;
	s1 =	sshll.u32 s1, $0x11  }
0xbe: {  	s0 =	sor.u32 s1, s0  }
0xbf: {  	s0 =	sadd.s32 $0x8F2B, s0  }
0xc0: {  	[sflag:s0] =	ssyncadd.remote.s32 $0x1  }
0xc1: {  	_ =	sfence.sel $0xFFFF  }
0xc2: {  	[dreg:$0x0] =	wrdreg $0xFFFFFFFF;
	(pc) =	sbr.abs _section_cstart, $3  }
0xc3: {  	[dreg:$0x1] =	wrdreg $0xFFFFFFFF  }
0xc4: {  	_ =	task.clear_ibuf [dreg:s8], $0x2FFFF;
	_ =	strace $0x9FFFFFFF  }
0xc5: {  	(tm) =	ssettm $0x7FFFFFFF  }
tec
execute0_lowered:
.L_overlay_start_1:
0x0: {  	(tag) =	ssettag $0x1  }
0x1: {  	s1 =	rddreg [dreg:$0x0]  }
0x2: {  	s5 =	rddreg [dreg:$0x1]  }
0x3: {  	s4 =	rddreg [dreg:$0x2]  }
0x4: {  	s0 =	srdreg.scid;
	s2 =	rddreg [dreg:$0x3]  }
0x5: {  	s3 =	simm.s32 $0x0;
	s12 =	simm.s32 $0x100;
	s13 =	simm.s32 $0x4300  }
0x6: {  	s14 =	simm.s32 $0x200;
	s15 =	simm.s32 $0x8300;
	s16 =	simm.s32 $0x1  }
0x7: {  	s17 =	simm.s32 $0x2;
	s18 =	simm.s32 $0x180;
	s19 =	simm.s32 $0x3  }
0x8: {  	s20 =	simm.s32 $0x280;
	s6 =	sand.u32 $0x1, s0;
	s0 =	rddreg [dreg:$0x4]  }
0x9: {  	[smem:$0x7FF] =	sst s3;
	s7 =	smul.u32 $0x27100, s6;
	s8 =	ssub.s32 $0x2, s6  }
0xa: {  	_ =	strace $0x8000004D;
	s30 =	smul.u32 $0x9C00, s6;
	s6 =	sshll.u32 s6, $0x4  }
0xb: {  	s29 =	sshrl.u32 s8, $0x1;
	s9 =	sadd.s32 s7, s4;
	s4 =	stileid.u32  }
0xc: {  	s7 =	ssub.s32 s8, s29;
	s8 =	sadd.s32 s30, s5;
	s10 =	sshll.u32 s4, $0x5  }
0xd: {  	s11 =	smul.u32 $0x9C0, s4;
	s21 =	sor.u32 s4, s6;
	s6 =	smax.u32 s7, $0x1  }
0xe: {  	s31 =	sadd.s32 s10, s5;
	s10 =	simm.s32 $0x80;
	p0 =	sgt.u32 s21, $0x3  }
0xf: {  	s21 =	simm.s32 $0x0;
	s5 =	sadd.s32 $0x13800, s31;
	s7 =	sadd.s32 s11, s8  }
0x10: {  	s8 =	sadd.s32 $0x50800, s9;
	s9 =	simm.s32 $0x4;
	s11 =	simm.s32 $0x300  }
.LBB2_1:
0x11: {  	s22 =	sand.u32 $0xF, s3  }
0x12: {  	p1 =	sne.s32 s22, s4  }
0x13: {  	s24 =	simm.s32 $0x1;
	s22 =	sshll.u32 @!p1 s4, $0x6  }
0x14: {  	s23 =	sshrl.u32 @!p1 s2, $0x3;
	s25 =	simm.s32 @!p1 $0x4;
	s22 =	sor.u32 @!p1 $0x1C04, s22  }
0x15: {  	[spmem:s23], [sflag:s22] =	dma.local @!p1 [hbm:s1], $0xC80  }
0x16: {  	s26 =	sand.u32 $0xF, s24;
	s24 =	sadd.s32 $0x6400, s2;
	_ =	swait.ge @!p1 [sflag:s25], $0xC80  }
0x17: {  	s23 =	simm.s32 $0x2;
	s22 =	sadd.s32 $0xC80, s1;
	[sflag:s25] =	ssyncset.done @!p1 $0x0  }
.LBB2_2:
0x18: {  	[sflag:s25] =	ssyncadd.s32 @!p1 $0xFFFFF380  }
0x19: {  	p1 =	sne.s32 s26, s4;
	s26 =	smov.u32 s23;
	s23 =	sadd.s32 $0x1, s23  }
0x1a: {  	p2 =	sne.s32 s23, $0x32  }
.Ltmp0:
0x1b: {  	s25 =	sshll.u32 @!p1 s4, $0x6;
	s28 =	sshrl.u32 @!p1 s24, $0x3;
	(pc) =	sbr.rel @p2 .LBB2_2-.Ltmp0, $4  }
0x1c: {  	s29 =	sor.u32 @!p1 $0x1C04, s25;
	s25 =	simm.s32 @!p1 $0x4  }
0x1d: {  	[spmem:s28], [sflag:s29] =	dma.local @!p1 [hbm:s22], $0xC80  }
0x1e: {  	s22 =	sadd.s32 $0xC80, s22;
	_ =	swait.ge @!p1 [sflag:s25], $0xC80  }
0x1f: {  	s26 =	sand.u32 $0xF, s26;
	s24 =	sadd.s32 $0x6400, s24;
	[sflag:s25] =	ssyncset.done @!p1 $0x0  }
0x20: {  	p2 =	sne.s32 s26, s4  }
0x21: {  	[sflag:s25] =	ssyncadd.s32 @!p1 $0xFFFFF380;
	s23 =	sshll.u32 @!p2 s4, $0x6  }
0x22: {  	s24 =	sshrl.u32 @!p2 s24, $0x3;
	s25 =	simm.s32 @!p2 $0x4;
	s23 =	sor.u32 @!p2 $0x1C04, s23  }
0x23: {  	[spmem:s24], [sflag:s23] =	dma.local @!p2 [hbm:s22], $0xC80  }
0x24: {  	_ =	swait.ge @!p2 [sflag:s25], $0xC80  }
0x25: {  	[sflag:s25] =	ssyncset.done @!p2 $0x0  }
0x26: {  	[sflag:s25] =	ssyncadd.s32 @!p2 $0xFFFFF380  }
0x27: {  	s30 =	sadd.s32 $0x0, s7;
	[bflag:$0x0] =	sbarrier.arrive $0xFFFF  }
0x28: {  	[tilespmem:s3], [sflag:$0x4] =	stream.linear.gather [hbm4b:s30+s3], $0x100, $0x38;
	[tilespmem:$0x1FB80] =	vst v63  }
0x29: {  	_ =	swait.ge [sflag:s9], $0x100  }
0x2a: {  	[sflag:s9] =	ssyncset.done $0x0  }
0x2b: {  	[sflag:s9] =	ssyncadd.s32 $0xFFFFFF00  }
0x2c: {  	[tilespmem:s11], [sflag:$0x1] =	stream.indirect.gather [hbm4b:s1+s10], $0x80, s3, s10, $0xb8;
	[tilespmem:$0x1FB80] =	vst v63  }
0x2d: {  	s31 =	sadd.s32 $0x20, s30  }
0x2e: {  	[tilespmem:s12], [sflag:$0x4] =	stream.linear.gather [hbm4b:s31+s3], $0x100, $0x38;
	[tilespmem:$0x1FB80] =	vst v63  }
0x2f: {  	_ =	swait.ge [sflag:s9], $0x100  }
0x30: {  	[sflag:s9] =	ssyncset.done $0x0  }
0x31: {  	[sflag:s9] =	ssyncadd.s32 $0xFFFFFF00  }
0x32: {  	[tilespmem:s13], [sflag:$0x2] =	stream.indirect.gather [hbm4b:s1+s10], $0x80, s12, s10, $0xb8;
	[tilespmem:$0x1FB80] =	vst v63  }
0x33: {  	s22 =	sadd.s32 $0x40, s30  }
0x34: {  	[tilespmem:s14], [sflag:$0x4] =	stream.linear.gather [hbm4b:s22+s3], $0x100, $0x38;
	[tilespmem:$0x1FB80] =	vst v63  }
0x35: {  	_ =	swait.ge [sflag:s9], $0x100  }
0x36: {  	[sflag:s9] =	ssyncset.done $0x0  }
0x37: {  	[sflag:s9] =	ssyncadd.s32 $0xFFFFFF00  }
0x38: {  	[tilespmem:s15], [sflag:$0x3] =	stream.indirect.gather [hbm4b:s1+s10], $0x80, s14, s10, $0xb8;
	[tilespmem:$0x1FB80] =	vst v63  }
0x39: {  	_ =	swait.ge [sflag:s16], $0x4000  }
0x3a: {  	[sflag:s16] =	ssyncset.done $0x0  }
0x3b: {  	[sflag:s16] =	ssyncadd.s32 $0xFFFFC000  }
0x3c: {  	[spmem:s2] =	stream.indirect.scatter.add.f32 [tilespmem:s11], [sflag:$0x4], $0x80, s10, s10, $0xb8;
	[tilespmem:$0x1FB80] =	vst v63  }
0x3d: {  	_ =	swait.ge [sflag:s9], $0x4000  }
0x3e: {  	[sflag:s9] =	ssyncset.done $0x0  }
0x3f: {  	[sflag:s9] =	ssyncadd.s32 $0xFFFFC000  }
0x40: {  	_ =	swait.ge [sflag:s17], $0x4000  }
0x41: {  	[sflag:s17] =	ssyncset.done $0x0  }
0x42: {  	[sflag:s17] =	ssyncadd.s32 $0xFFFFC000  }
0x43: {  	[spmem:s2] =	stream.indirect.scatter.add.f32 [tilespmem:s13], [sflag:$0x4], $0x80, s18, s10, $0xb8;
	[tilespmem:$0x1FB80] =	vst v63  }
0x44: {  	_ =	swait.ge [sflag:s9], $0x4000  }
0x45: {  	[sflag:s9] =	ssyncset.done $0x0  }
0x46: {  	[sflag:s9] =	ssyncadd.s32 $0xFFFFC000  }
0x47: {  	_ =	swait.ge [sflag:s19], $0x4000  }
0x48: {  	[sflag:s19] =	ssyncset.done $0x0  }
0x49: {  	[sflag:s19] =	ssyncadd.s32 $0xFFFFC000  }
0x4a: {  	[spmem:s2] =	stream.indirect.scatter.add.f32 [tilespmem:s15], [sflag:$0x4], $0x80, s20, s10, $0xb8;
	[tilespmem:$0x1FB80] =	vst v63  }
0x4b: {  	_ =	swait.ge [sflag:s9], $0x4000  }
0x4c: {  	s24 =	simm.s32 $0xC0;
	s22 =	simm.s32 $0x60;
	[sflag:s9] =	ssyncset.done $0x0  }
.LBB2_4:
0x4d: {  	s25 =	sadd.s32 s22, s7  }
0x4e: {  	[sflag:s9] =	ssyncadd.s32 $0xFFFFC000;
	s22 =	smov.u32 s24;
	s23 =	sadd.s32 $0x60, s24  }
0x4f: {  	[tilespmem:s3], [sflag:$0x4] =	stream.linear.gather [hbm4b:s25+s3], $0x100, $0x38;
	[tilespmem:$0x1FB80] =	vst v63  }
0x50: {  	p1 =	sne.s32 s24, $0x960;
	_ =	swait.ge [sflag:s9], $0x100  }
0x51: {  	[sflag:s9] =	ssyncset.done $0x0  }
0x52: {  	[sflag:s9] =	ssyncadd.s32 $0xFFFFFF00  }
0x53: {  	[tilespmem:s11], [sflag:$0x1] =	stream.indirect.gather [hbm4b:s1+s10], $0x80, s3, s10, $0xb8;
	[tilespmem:$0x1FB80] =	vst v63  }
0x54: {  	s24 =	sadd.s32 $0x20, s25  }
0x55: {  	[tilespmem:s12], [sflag:$0x4] =	stream.linear.gather [hbm4b:s24+s3], $0x100, $0x38;
	[tilespmem:$0x1FB80] =	vst v63  }
0x56: {  	_ =	swait.ge [sflag:s9], $0x100  }
0x57: {  	[sflag:s9] =	ssyncset.done $0x0  }
0x58: {  	[sflag:s9] =	ssyncadd.s32 $0xFFFFFF00  }
0x59: {  	[tilespmem:s13], [sflag:$0x2] =	stream.indirect.gather [hbm4b:s1+s10], $0x80, s12, s10, $0xb8;
	[tilespmem:$0x1FB80] =	vst v63  }
0x5a: {  	s24 =	sadd.s32 $0x40, s25  }
0x5b: {  	[tilespmem:s14], [sflag:$0x4] =	stream.linear.gather [hbm4b:s24+s3], $0x100, $0x38;
	[tilespmem:$0x1FB80] =	vst v63  }
0x5c: {  	_ =	swait.ge [sflag:s9], $0x100  }
0x5d: {  	[sflag:s9] =	ssyncset.done $0x0  }
0x5e: {  	[sflag:s9] =	ssyncadd.s32 $0xFFFFFF00  }
0x5f: {  	[tilespmem:s15], [sflag:$0x3] =	stream.indirect.gather [hbm4b:s1+s10], $0x80, s14, s10, $0xb8;
	[tilespmem:$0x1FB80] =	vst v63  }
0x60: {  	_ =	swait.ge [sflag:s16], $0x4000  }
0x61: {  	[sflag:s16] =	ssyncset.done $0x0  }
0x62: {  	[sflag:s16] =	ssyncadd.s32 $0xFFFFC000  }
0x63: {  	[spmem:s2] =	stream.indirect.scatter.add.f32 [tilespmem:s11], [sflag:$0x4], $0x80, s10, s10, $0xb8;
	[tilespmem:$0x1FB80] =	vst v63  }
0x64: {  	_ =	swait.ge [sflag:s9], $0x4000  }
0x65: {  	[sflag:s9] =	ssyncset.done $0x0  }
0x66: {  	[sflag:s9] =	ssyncadd.s32 $0xFFFFC000  }
0x67: {  	_ =	swait.ge [sflag:s17], $0x4000  }
0x68: {  	[sflag:s17] =	ssyncset.done $0x0  }
0x69: {  	[sflag:s17] =	ssyncadd.s32 $0xFFFFC000  }
0x6a: {  	[spmem:s2] =	stream.indirect.scatter.add.f32 [tilespmem:s13], [sflag:$0x4], $0x80, s18, s10, $0xb8;
	[tilespmem:$0x1FB80] =	vst v63  }
0x6b: {  	_ =	swait.ge [sflag:s9], $0x4000  }
0x6c: {  	[sflag:s9] =	ssyncset.done $0x0  }
0x6d: {  	[sflag:s9] =	ssyncadd.s32 $0xFFFFC000  }
0x6e: {  	_ =	swait.ge [sflag:s19], $0x4000  }
.Ltmp1:
0x6f: {  	[sflag:s19] =	ssyncset.done $0x0;
	(pc) =	sbr.rel @p1 .LBB2_4-.Ltmp1, $4  }
0x70: {  	[sflag:s19] =	ssyncadd.s32 $0xFFFFC000  }
0x71: {  	[spmem:s2] =	stream.indirect.scatter.add.f32 [tilespmem:s15], [sflag:$0x4], $0x80, s20, s10, $0xb8;
	[tilespmem:$0x1FB80] =	vst v63  }
0x72: {  	_ =	swait.ge [sflag:s9], $0x4000  }
0x73: {  	s24 =	smov.u32 s23;
	[sflag:s9] =	ssyncset.done $0x0  }
0x74: {  	s22 =	sadd.s32 s22, s7;
	[sflag:s9] =	ssyncadd.s32 $0xFFFFC000  }
0x75: {  	[tilespmem:s3], [sflag:$0x4] =	stream.linear.gather [hbm4b:s22+s3], $0x100, $0x38;
	[tilespmem:$0x1FB80] =	vst v63  }
0x76: {  	_ =	swait.ge [sflag:s9], $0x100  }
0x77: {  	[sflag:s9] =	ssyncset.done $0x0  }
0x78: {  	[sflag:s9] =	ssyncadd.s32 $0xFFFFFF00  }
0x79: {  	[tilespmem:s11], [sflag:$0x1] =	stream.indirect.gather [hbm4b:s1+s10], $0x80, s3, s10, $0xb8;
	[tilespmem:$0x1FB80] =	vst v63  }
0x7a: {  	s23 =	sadd.s32 $0x20, s22  }
0x7b: {  	[tilespmem:s12], [sflag:$0x4] =	stream.linear.gather [hbm4b:s23+s3], $0x100, $0x38;
	[tilespmem:$0x1FB80] =	vst v63  }
0x7c: {  	_ =	swait.ge [sflag:s9], $0x100  }
0x7d: {  	[sflag:s9] =	ssyncset.done $0x0  }
0x7e: {  	[sflag:s9] =	ssyncadd.s32 $0xFFFFFF00  }
0x7f: {  	[tilespmem:s13], [sflag:$0x2] =	stream.indirect.gather [hbm4b:s1+s10], $0x80, s12, s10, $0xb8;
	[tilespmem:$0x1FB80] =	vst v63  }
0x80: {  	s22 =	sadd.s32 $0x40, s22  }
0x81: {  	[tilespmem:s14], [sflag:$0x4] =	stream.linear.gather [hbm4b:s22+s3], $0x100, $0x38;
	[tilespmem:$0x1FB80] =	vst v63  }
0x82: {  	_ =	swait.ge [sflag:s9], $0x100  }
0x83: {  	[sflag:s9] =	ssyncset.done $0x0  }
0x84: {  	[sflag:s9] =	ssyncadd.s32 $0xFFFFFF00  }
0x85: {  	[tilespmem:s15], [sflag:$0x3] =	stream.indirect.gather [hbm4b:s1+s10], $0x80, s14, s10, $0xb8;
	[tilespmem:$0x1FB80] =	vst v63  }
0x86: {  	_ =	swait.ge [sflag:s16], $0x4000  }
0x87: {  	[sflag:s16] =	ssyncset.done $0x0  }
0x88: {  	[sflag:s16] =	ssyncadd.s32 $0xFFFFC000  }
0x89: {  	[spmem:s2] =	stream.indirect.scatter.add.f32 [tilespmem:s11], [sflag:$0x4], $0x80, s10, s10, $0xb8;
	[tilespmem:$0x1FB80] =	vst v63  }
0x8a: {  	_ =	swait.ge [sflag:s9], $0x4000  }
0x8b: {  	[sflag:s9] =	ssyncset.done $0x0  }
0x8c: {  	[sflag:s9] =	ssyncadd.s32 $0xFFFFC000  }
0x8d: {  	_ =	swait.ge [sflag:s17], $0x4000  }
0x8e: {  	[sflag:s17] =	ssyncset.done $0x0  }
0x8f: {  	[sflag:s17] =	ssyncadd.s32 $0xFFFFC000  }
0x90: {  	[spmem:s2] =	stream.indirect.scatter.add.f32 [tilespmem:s13], [sflag:$0x4], $0x80, s18, s10, $0xb8;
	[tilespmem:$0x1FB80] =	vst v63  }
0x91: {  	_ =	swait.ge [sflag:s9], $0x4000  }
0x92: {  	[sflag:s9] =	ssyncset.done $0x0  }
0x93: {  	[sflag:s9] =	ssyncadd.s32 $0xFFFFC000  }
0x94: {  	_ =	swait.ge [sflag:s19], $0x4000  }
0x95: {  	[sflag:s19] =	ssyncset.done $0x0  }
0x96: {  	[sflag:s19] =	ssyncadd.s32 $0xFFFFC000  }
0x97: {  	[spmem:s2] =	stream.indirect.scatter.add.f32 [tilespmem:s15], [sflag:$0x4], $0x80, s20, s10, $0xb8;
	[tilespmem:$0x1FB80] =	vst v63  }
0x98: {  	_ =	swait.ge [sflag:s9], $0x4000  }
0x99: {  	[sflag:s9] =	ssyncset.done $0x0  }
0x9a: {  	s23 =	simm.s32 @!p0 $0x4;
	s22 =	simm.s32 @!p0 $0x0;
	[sflag:s9] =	ssyncadd.s32 $0xFFFFC000  }
0x9b: {  	[tilespmem:s22], [sflag:$0x4] =	stream.linear.gather @!p0 [hbm4b:s5+s22], $0x100, $0x38;
	[tilespmem:$0x1FB80] =	vst v63  }
0x9c: {  	_ =	swait.ge @!p0 [sflag:s23], $0x100  }
0x9d: {  	[sflag:s23] =	ssyncset.done @!p0 $0x0  }
0x9e: {  	s24 =	simm.s32 @!p0 $0x80;
	s25 =	simm.s32 @!p0 $0x300;
	[sflag:s23] =	ssyncadd.s32 @!p0 $0xFFFFFF00  }
0x9f: {  	[tilespmem:s25], [sflag:$0x1] =	stream.indirect.gather @!p0 [hbm4b:s1+s24], $0x80, s22, s24, $0xb8;
	[tilespmem:$0x1FB80] =	vst v63  }
0xa0: {  	s22 =	simm.s32 @!p0 $0x1  }
0xa1: {  	_ =	swait.ge @!p0 [sflag:s22], $0x4000  }
0xa2: {  	[sflag:s22] =	ssyncset.done @!p0 $0x0  }
0xa3: {  	s30 =	simm.s32 $0x0;
	[sflag:s22] =	ssyncadd.s32 @!p0 $0xFFFFC000  }
0xa4: {  	[spmem:s2] =	stream.indirect.scatter.add.f32 @!p0 [tilespmem:s25], [sflag:$0x4], $0x80, s24, s24, $0xb8;
	[tilespmem:$0x1FB80] =	vst v63  }
0xa5: {  	s22 =	sand.u32 $0xF, s30;
	_ =	swait.ge @!p0 [sflag:s23], $0x4000  }
0xa6: {  	s31 =	simm.s32 $0x1;
	p1 =	sne.s32 s22, s4;
	[sflag:s23] =	ssyncset.done @!p0 $0x0  }
0xa7: {  	s22 =	sshll.u32 @!p1 s4, $0x6;
	s25 =	simm.s32 @!p1 $0x4;
	[sflag:s23] =	ssyncadd.s32 @!p0 $0xFFFFC000  }
0xa8: {  	s22 =	sor.u32 @!p1 $0x1C04, s22;
	s23 =	sshrl.u32 @!p1 s2, $0x3;
	[bflag:$0x0] =	sbarrier.arrive $0xFFFF  }
0xa9: {  	[hbm:s8], [sflag:s22] =	dma.local @!p1 [spmem:s23], $0xC80  }
0xaa: {  	s26 =	sand.u32 $0xF, s31;
	s24 =	sadd.s32 $0x6400, s2;
	_ =	swait.ge @!p1 [sflag:s25], $0xC80  }
0xab: {  	s23 =	simm.s32 $0x2;
	s22 =	sadd.s32 $0xC80, s8;
	[sflag:s25] =	ssyncset.done @!p1 $0x0  }
.LBB2_6:
0xac: {  	[sflag:s25] =	ssyncadd.s32 @!p1 $0xFFFFF380  }
0xad: {  	p1 =	sne.s32 s26, s4;
	s26 =	smov.u32 s23;
	s23 =	sadd.s32 $0x1, s23  }
0xae: {  	p2 =	sne.s32 s23, $0x32  }
.Ltmp2:
0xaf: {  	s25 =	sshll.u32 @!p1 s4, $0x6;
	s28 =	sshrl.u32 @!p1 s24, $0x3;
	(pc) =	sbr.rel @p2 .LBB2_6-.Ltmp2, $4  }
0xb0: {  	s29 =	sor.u32 @!p1 $0x1C04, s25;
	s25 =	simm.s32 @!p1 $0x4  }
0xb1: {  	[hbm:s22], [sflag:s29] =	dma.local @!p1 [spmem:s28], $0xC80  }
0xb2: {  	s22 =	sadd.s32 $0xC80, s22;
	_ =	swait.ge @!p1 [sflag:s25], $0xC80  }
0xb3: {  	s26 =	sand.u32 $0xF, s26;
	s24 =	sadd.s32 $0x6400, s24;
	[sflag:s25] =	ssyncset.done @!p1 $0x0  }
0xb4: {  	p2 =	sne.s32 s26, s4;
	[sflag:s25] =	ssyncadd.s32 @!p1 $0xFFFFF380;
	s21 =	sadd.s32 $0x1, s21  }
0xb5: {  	s23 =	sshll.u32 @!p2 s4, $0x6;
	s24 =	sshrl.u32 @!p2 s24, $0x3;
	p1 =	sne.s32 s21, s6  }
.Ltmp3:
0xb6: {  	s25 =	simm.s32 @!p2 $0x4;
	s23 =	sor.u32 @!p2 $0x1C04, s23;
	(pc) =	sbr.rel @p1 .LBB2_1-.Ltmp3, $4  }
0xb7: {  	[hbm:s22], [sflag:s23] =	dma.local @!p2 [spmem:s24], $0xC80  }
0xb8: {  	_ =	swait.ge @!p2 [sflag:s25], $0xC80  }
0xb9: {  	[sflag:s25] =	ssyncset.done @!p2 $0x0  }
0xba: {  	[sflag:s25] =	ssyncadd.s32 @!p2 $0xFFFFF380  }
0xbb: {  	_ =	sfence.sel $0x180000  }
0xbc: {  	[bflag:$0x0] =	sbarrier.arrive $0xFFFF  }
0xbd: {  	p0 =	sne.s32 s4, $0x0;
	_ =	strace $0x9000004D  }
0xbe: {  	s0 =	sadd.s32 @!p0 $0x100000, s0;
	[bflag:$0x2] =	sbarrier.arrive $0xFFFF  }
0xbf: {  	[sflag:s0] =	ssyncadd.tile.s32 @!p0 $0x1;
	_ =	shalt  }
.Lfunc_end2:
_tile_overlayer_lowered:
.L_overlay_start_2:
0xc0: {  	(tag) =	ssettag $0x2  }
0xc1: {  	s0 =	rddreg [dreg:$0x0];
	s2 =	stileid.u32  }
0xc2: {  	s1 =	rddreg [dreg:$0x1];
	p0 =	sne.s32 s2, $0x0  }
0xc3: {  	s3 =	rddreg [dreg:$0x2];
	[bflag:$0x3] =	sbarrier.arrive $0xFFFF;
	s2 =	simm.s32 @!p0 $0x1C04  }
0xc4: {  	[timem:s3], [sflag:s2] =	dma.local @!p0 [hbm:s0], s1  }
0xc5: {  	s0 =	simm.s32 @!p0 $0x4  }
0xc6: {  	_ =	swait.ge @!p0 [sflag:s0], s1  }
0xc7: {  	s1 =	ssub.s32 @!p0 $0x0, s1;
	[sflag:s0] =	ssyncset.done @!p0 $0x0  }
0xc8: {  	[sflag:s0] =	ssyncadd.s32 @!p0 s1  }
0xc9: {  	[bflag:$0x3] =	sbarrier.arrive $0xFFFF  }
0xca: {  	_ =	shalt  }

// kernel: kernel.9.cloned.1.call-start
scs
__scs_entry_jumppad:
0x0: {  	(pc) =	sbr.rel $0x88, $3  }
0x1: {  	(tag) =	ssettag $0x0;
	lr =	simm.s32 $0x1  }
0x2: {  	[smem:$0x3F9B] =	sst lr;
	_ =	strace $0xD0000000  }
0x3: {  	_ = 	snop  }
0x4: {  	_ = 	snop  }
0x5: {  	_ = 	snop  }
0x6: {  	_ = 	snop  }
0x7: {  	_ = 	snop  }
__scs_overlays_trampoline_lowered:
0x8: {  	[smem:$0x3FAA] =	sst s0  }
0x9: {  	[smem:$0x3FAB] =	sst s1  }
0xa: {  	[smem:$0x3FAC] =	sst s2  }
0xb: {  	[smem:$0x3FAD] =	sst s3  }
0xc: {  	[smem:$0x3FAE] =	sst s4  }
0xd: {  	[smem:$0x3FAF] =	sst s5  }
0xe: {  	[smem:$0x3FB0] =	sst s6  }
0xf: {  	[smem:$0x3FB1] =	sst s7  }
0x10: {  	[smem:$0x3FB2] =	sst s8  }
0x11: {  	[smem:$0x3FB3] =	sst s9;
	s0 =	simm.s32 @!p0 $0x0  }
0x12: {  	s1 =	sld [smem:$0x3F99];
	s0 =	simm.s32 @p0 $0x1  }
0x13: {  	[smem:$0x3FB4] =	sst s0;
	s0 =	simm.s32 @!p1 $0x0  }
0x14: {  	s2 =	sld [smem:$0x3F98];
	s0 =	simm.s32 @p1 $0x1  }
0x15: {  	[smem:$0x3FB5] =	sst s0;
	s0 =	simm.s32 @!p2 $0x0  }
0x16: {  	s3 =	sld [smem:$0x3FDB];
	s0 =	simm.s32 @p2 $0x1  }
0x17: {  	s4 =	simm.s32 $0x1BF5;
	[smem:$0x3FB7] =	sst s0  }
0x18: {  	s0 =	sld [smem:$0x3F9A];
	_ =	swait.ge [sflag:s4], $0x0  }
0x19: {  	s7 =	sld [smem:$0x3F9B]  }
0x1a: {  	s8 =	sadd.s32 $0xFFFFE003, lr  }
0x1b: {  	s9 =	sadd.s32 $0xFFFFFEF7, lr;
	s5 =	simm.s32 $0xFFFFFFFF;
	p2 =	slt.u32 s8, $0xFFFFF086  }
0x1c: {  	p1 =	slt.u32 s9, $0xF7A;
	s5 =	simm.s32 @!p2 $0x0  }
0x1d: {  	s5 =	simm.s32 @p1 $0x1;
	p0 =	seq.s32 s7, s2  }
0x1e: {  	s7 =	smul.u32 @!p0 $0xF7A, s2;
	p2 =	seq.s32 @!p0 s5, $0x0  }
0x1f: {  	s9 =	smul.u32 $0xF7A, s1;
	s8 =	simm.s32 @!p0 $0x1BF5;
	p2 =	por !p2, p0  }
0x20: {  	[sflag:s8] =	ssyncset.s32 @!p0 $0xFFFFF086;
	s6 =	sadd.s32 @!p0 s3, s7;
	s7 =	simm.s32 @!p0 $0x108  }
0x21: {  	s3 =	sadd.s32 s3, s9;
	s6 =	sadd.s32 @!p0 $0x88, s6;
	s7 =	simm.s32 @p2 $0x1082  }
0x22: {  	[simem:s7], [sflag:s8] =	dma.local @!p0 [hbm:s6], $0xF7A  }
0x23: {  	s9 =	sor.u32 $0xD0000000, s2;
	s6 =	simm.s32 $0x108;
	_ =	swait.ge @!p0 [sflag:s8], $0x0  }
0x24: {  	s3 =	sadd.s32 $0x88, s3;
	s6 =	simm.s32 @!p1 $0x1082;
	[sflag:s4] =	ssyncset.s32 $0xFFFFF086  }
0x25: {  	[simem:s6], [sflag:s4] =	dma.local [hbm:s3], $0xF7A  }
0x26: {  	[smem:$0x3F9B] =	sst s1;
	(tag) =	ssettag s2;
	_ =	strace s9  }
0x27: {  	s1 =	sld [smem:$0x3FAB]  }
0x28: {  	s2 =	sld [smem:$0x3FAC]  }
0x29: {  	s4 =	sld [smem:$0x3FAE]  }
0x2a: {  	p0 =	seq.s32 s5, $0x0;
	s5 =	sld [smem:$0x3FAF]  }
0x2b: {  	s6 =	sld [smem:$0x3FB0]  }
0x2c: {  	s7 =	sld [smem:$0x3FB1]  }
0x2d: {  	s3 =	simm.s32 $0x108;
	s8 =	sld [smem:$0x3FB2]  }
0x2e: {  	s3 =	simm.s32 @!p0 $0x1082;
	s9 =	sld [smem:$0x3FB3]  }
0x2f: {  	lr =	sadd.s32 s0, s3;
	s0 =	sld [smem:$0x3FAA]  }
0x30: {  	s3 =	sld [smem:$0x3FAD]  }
0x31: {  	[smem:$0x3FB6] =	sst s10  }
0x32: {  	s10 =	sld [smem:$0x3FB4];
	_ =	sdelay $0x3  }
0x33: {  	p0 =	seq.s32 s10, $0x1;
	s10 =	sld [smem:$0x3FB6];
	_ =	sdelay $0x3  }
0x34: {  	[smem:$0x3FB6] =	sst s10  }
0x35: {  	s10 =	sld [smem:$0x3FB5];
	_ =	sdelay $0x3  }
0x36: {  	p1 =	seq.s32 s10, $0x1;
	s10 =	sld [smem:$0x3FB6];
	_ =	sdelay $0x3  }
0x37: {  	[smem:$0x3FB6] =	sst s10  }
0x38: {  	s10 =	sld [smem:$0x3FB7]  }
0x39: {  	_ = 	snop;
	(pc) =	sbr.ind lr, $3  }
0x3a: {  	_ = 	snop  }
0x3b: {  	_ = 	snop  }
0x3c: {  	p2 =	seq.s32 s10, $0x1;
	s10 =	sld [smem:$0x3FB6]  }
0x3d: {  	_ =	shalt  }
0x3e: {  	_ =	shalt  }
0x3f: {  	_ =	shalt  }
0x40: {  	_ =	shalt  }
0x41: {  	_ =	shalt  }
0x42: {  	_ =	shalt  }
0x43: {  	_ =	shalt  }
0x44: {  	_ =	shalt  }
0x45: {  	_ =	shalt  }
0x46: {  	_ =	shalt  }
0x47: {  	_ =	shalt  }
0x48: {  	_ =	shalt  }
0x49: {  	_ =	shalt  }
0x4a: {  	_ =	shalt  }
0x4b: {  	_ =	shalt  }
0x4c: {  	_ =	shalt  }
0x4d: {  	_ =	shalt  }
0x4e: {  	_ =	shalt  }
0x4f: {  	_ =	shalt  }
0x50: {  	_ =	shalt  }
0x51: {  	_ =	shalt  }
0x52: {  	_ =	shalt  }
0x53: {  	_ =	shalt  }
0x54: {  	_ =	shalt  }
0x55: {  	_ =	shalt  }
0x56: {  	_ =	shalt  }
0x57: {  	_ =	shalt  }
0x58: {  	_ =	shalt  }
0x59: {  	_ =	shalt  }
0x5a: {  	_ =	shalt  }
0x5b: {  	_ =	shalt  }
0x5c: {  	_ =	shalt  }
0x5d: {  	_ =	shalt  }
0x5e: {  	_ =	shalt  }
0x5f: {  	_ =	shalt  }
0x60: {  	_ =	shalt  }
0x61: {  	_ =	shalt  }
0x62: {  	_ =	shalt  }
0x63: {  	_ =	shalt  }
0x64: {  	_ =	shalt  }
0x65: {  	_ =	shalt  }
0x66: {  	_ =	shalt  }
0x67: {  	_ =	shalt  }
0x68: {  	_ =	shalt  }
0x69: {  	_ =	shalt  }
0x6a: {  	_ =	shalt  }
0x6b: {  	_ =	shalt  }
0x6c: {  	_ =	shalt  }
0x6d: {  	_ =	shalt  }
0x6e: {  	_ =	shalt  }
0x6f: {  	_ =	shalt  }
0x70: {  	_ =	shalt  }
0x71: {  	_ =	shalt  }
0x72: {  	_ =	shalt  }
0x73: {  	_ =	shalt  }
0x74: {  	_ =	shalt  }
0x75: {  	_ =	shalt  }
0x76: {  	_ =	shalt  }
0x77: {  	_ =	shalt  }
0x78: {  	_ =	shalt  }
0x79: {  	_ =	shalt  }
0x7a: {  	_ =	shalt  }
0x7b: {  	_ =	shalt  }
0x7c: {  	_ =	shalt  }
0x7d: {  	_ =	shalt  }
0x7e: {  	_ =	shalt  }
0x7f: {  	_ =	shalt  }
0x80: {  	_ =	shalt  }
0x81: {  	_ =	shalt  }
0x82: {  	_ =	shalt  }
0x83: {  	_ =	shalt  }
0x84: {  	_ =	shalt  }
0x85: {  	_ =	shalt  }
0x86: {  	_ =	shalt  }
0x87: {  	_ =	shalt  }
.Lfunc_end0:
.L_simem_size_0:
called_computation_lowered:
.L_overlay_start_0:
0x88: {  	s2 =	sld [smem:$0x3FD9]  }
0x89: {  	s3 =	sld [smem:$0x3FFE];
	_ =	sdelay $0x1  }
0x8a: {  	s1 =	srdreg.scid  }
0x8b: {  	s0 =	sand.u32 $0x1, s1  }
0x8c: {  	s17 =	sshll.u32 s0, $0xA;
	s2 =	sadd.s32 s3, s2  }
0x8d: {  	s2 =	sadd.s32 s2, s17  }
0x8e: {  	[smem:$0x3FC2] =	sst s2  }
0x8f: {  	_ = 	snop  }
0x90: {  	s2 =	sld [smem:$0x3FD0];
	(tm) =	ssettm $0x1  }
0x91: {  	s18 =	sld [smem:$0x3FFB];
	_ =	sdelay $0x3  }
0x92: {  	_ =	strace s18  }
0x93: {  	s3 =	sld [smem:$0x3FFC];
	_ =	sdelay $0x3  }
0x94: {  	_ =	strace s3  }
0x95: {  	s3 =	sld [smem:$0x3FFD];
	_ =	sdelay $0x3  }
0x96: {  	_ =	strace s3  }
0x97: {  	_ =	strace $0x8FFFFFFF  }
0x98: {  	s19 =	sld [smem:$0x3FDB];
	_ =	sdelay $0x1  }
0x99: {  	s4 =	simm.s32 $_scs_section_size  }
0x9a: {  	s5 =	simm.s32 $_size__tile_overlayer_lowered;
	s6 =	simm.s32 $_tile_overlayer_lowered  }
0x9b: {  	s22 =	simm.s32 $0x1BFF;
	s21 =	sshll.u32 s6, $0x1;
	s3 =	sadd.s32 s4, s19  }
0x9c: {  	s7 =	simm.s32 $0x0;
	s20 =	sshll.u32 s5, $0x1;
	s5 =	sadd.s32 s21, s3  }
0x9d: {  	[timem:s7], [sflag:s22] =	dma.local [hbm:s5], s20  }
0x9e: {  	_ =	swait.ge [sflag:s22], s20  }
0x9f: {  	s4 =	ssub.s32 $0x0, s20;
	[sflag:s22] =	ssyncset.done $0x0  }
0xa0: {  	[sflag:s22] =	ssyncadd.s32 s4;
	_ =	sdelay $0x1  }
0xa1: {  	s23 =	simm.s32 $0x1B8B  }
0xa2: {  	_ =	swait.ge [sflag:s23], $0x1  }
0xa3: {  	[sflag:s23] =	ssyncset.done $0x0  }
0xa4: {  	s25 =	simm.s32 $0x1B8E;
	s24 =	sld [smem:$0x3FFE];
	[sflag:s23] =	ssyncadd.s32 $0xFFFFFFFF  }
0xa5: {  	s26 =	simm.s32 $execute0_lowered;
	[smem:$0x3FD2] =	sst s25  }
0xa6: {  	s5 =	sshll.u32 s26, $0x1;
	_ =	strace $0x80000046;
	[dreg:$0x1] =	wrdreg $0xFFFFFFFF  }
0xa7: {  	s28 =	simm.s32 $_size_execute0_lowered;
	s3 =	sadd.s32 s3, s5;
	[dreg:$0x0] =	wrdreg $0x0  }
0xa8: {  	s5 =	sshll.u32 s28, $0x1;
	[dreg:$0x2] =	wrdreg s3  }
0xa9: {  	[dreg:$0x3] =	wrdreg s5  }
0xaa: {  	[dreg:$0x4] =	wrdreg $0xC0  }
0xab: {  	_ =	task [dreg:s7], $0x5FFFF  }
0xac: {  	[dreg:$0x1] =	wrdreg $0xFFFFFFFF  }
0xad: {  	[dreg:$0x0] =	wrdreg $0x60  }
0xae: {  	[dreg:$0x2] =	wrdreg s2  }
0xaf: {  	[dreg:$0x3] =	wrdreg s24  }
0xb0: {  	[dreg:$0x4] =	wrdreg $0xA5000  }
0xb1: {  	[dreg:$0x5] =	wrdreg $0x9  }
0xb2: {  	_ =	task.clear_ibuf [dreg:s7], $0x6FFFF;
	_ =	strace $0x90000046  }
0xb3: {  	s29 =	simm.s32 $0x9;
	_ =	strace $0x80000048  }
0xb4: {  	_ =	swait.ge [sflag:s29], $0x1  }
0xb5: {  	[sflag:s29] =	ssyncadd.s32 $0xFFFFFFFF  }
0xb6: {  	_ =	strace $0x90000048  }
0xb7: {  	_ =	sfence  }
0xb8: {  	s30 =	sld [smem:$0x0];
	_ =	sdelay $0x2  }
0xb9: {  	s31 =	sshll.u32 s1, $0xD;
	s1 =	sshrl.u32 s1, $0x2  }
0xba: {  	s3 =	sand.u32 $0x4000, s31;
	s1 =	sadd.s32 s1, s30  }
0xbb: {  	s0 =	sor.u32 s3, s0;
	s1 =	sshll.u32 s1, $0x11  }
0xbc: {  	s0 =	sor.u32 s1, s0  }
0xbd: {  	s0 =	sadd.s32 $0x8F2B, s0  }
0xbe: {  	[sflag:s0] =	ssyncadd.remote.s32 $0x1  }
0xbf: {  	_ =	sfence.sel $0xFFFF  }
0xc0: {  	[dreg:$0x0] =	wrdreg $0xFFFFFFFF;
	(pc) =	sbr.abs _section_cstart, $3  }
0xc1: {  	[dreg:$0x1] =	wrdreg $0xFFFFFFFF  }
0xc2: {  	_ =	task.clear_ibuf [dreg:s7], $0x2FFFF;
	_ =	strace $0x9FFFFFFF  }
0xc3: {  	(tm) =	ssettm $0x7FFFFFFF  }
tec
execute0_lowered:
.L_overlay_start_1:
0x0: {  	(tag) =	ssettag $0x1  }
0x1: {  	s6 =	rddreg [dreg:$0x0]  }
0x2: {  	s5 =	rddreg [dreg:$0x1]  }
0x3: {  	s0 =	srdreg.scid;
	s2 =	rddreg [dreg:$0x2];
	s3 =	simm.s32 $0x0  }
0x4: {  	s11 =	simm.s32 $0x10;
	s4 =	sand.u32 $0x1, s0;
	s0 =	stileid.u32  }
0x5: {  	s12 =	simm.s32 $0x0;
	[smem:$0x7FF] =	sst s3;
	s7 =	smul.u32 $0x27100, s4  }
0x6: {  	s1 =	sshll.u32 s4, $0x4;
	s9 =	smul.u32 $0x2710, s0;
	s4 =	ssub.s32 $0x2, s4  }
0x7: {  	s8 =	sor.u32 s0, s1;
	s1 =	rddreg [dreg:$0x3];
	_ =	strace $0x80000047  }
0x8: {  	s30 =	sshrl.u32 s4, $0x1;
	s8 =	smul.u32 $0x2710, s8;
	s10 =	sadd.s32 s7, s5  }
0x9: {  	s7 =	sadd.s32 s9, s7;
	s5 =	ssub.s32 s4, s30;
	s9 =	simm.s32 $0x80  }
0xa: {  	s7 =	sshrl.u32 s7, $0x3;
	s5 =	smax.u32 s5, $0x1;
	s8 =	sshrl.u32 s8, $0x3  }
0xb: {  	s31 =	sadd.s32 s6, s8;
	s6 =	sadd.s32 s7, s6;
	s7 =	sadd.s32 $0x2600, s10  }
0xc: {  	v0 =	vimm.f32 $1.000000000e+00;
	v1 =	vimm.f32 $0.0e+00;
	s8 =	simm.s32 $0x1;
	s10 =	simm.s32 $0x100;
	s4 =	sadd.s32 $0x4E0, s31  }
.LBB2_1:
0xd: {  	s13 =	simm.s32 $0x200;
	s14 =	simm.s32 $0x0  }
.LBB2_2:
0xe: {  	p0 =	sne.s32 s13, $0xFE00;
	[tilespmem:s14+$0x100] =	vst v0;
	s14 =	smov.u32 s13;
	s13 =	sadd.s32 $0x200, s13  }
.Ltmp0:
0xf: {  	(pc) =	sbr.rel @p0 .LBB2_2-.Ltmp0, $2  }
0x10: {  	_ =	sdelay $0x2  }
0x11: {  	s14 =	sshra.s32 s14, $0x2  }
0x12: {  	[tilespmem:s14+$0x100] =	vst v0;
	s13 =	simm.s32 $0x0;
	s14 =	simm.s32 $0x200;
	s15 =	simm.s32 $0x0  }
.LBB2_4:
0x13: {  	p0 =	sne.s32 s14, $0x18E00;
	[tilespmem:s15+$0x4100] =	vst v1;
	s15 =	smov.u32 s14;
	s14 =	sadd.s32 $0x200, s14  }
.Ltmp1:
0x14: {  	(pc) =	sbr.rel @p0 .LBB2_4-.Ltmp1, $2  }
0x15: {  	_ =	sdelay $0x2  }
0x16: {  	s15 =	sshra.s32 s15, $0x2  }
0x17: {  	s13 =	sand.u32 $0xF, s13  }
0x18: {  	p0 =	sne.s32 s13, s0  }
0x19: {  	[tilespmem:s15+$0x4100] =	vst v1;
	s13 =	simm.s32 @!p0 $0x4100;
	s16 =	simm.s32 @!p0 $0x1  }
0x1a: {  	[spmem:s2] =	stream.linear.scatter @!p0 [tilespmem:s13], [sflag:$0x1], $0x6400, $0x38;
	[tilespmem:$0xCC10] =	vst v63  }
0x1b: {  	s14 =	simm.s32 $0x1;
	_ =	swait.ge @!p0 [sflag:s16], $0x6400  }
0x1c: {  	s15 =	simm.s32 $0x2;
	s13 =	sadd.s32 $0x6400, s2;
	[sflag:s16] =	ssyncset.done @!p0 $0x0  }
.LBB2_6:
0x1d: {  	s17 =	sand.u32 $0xF, s14;
	s14 =	smov.u32 s15;
	s15 =	sadd.s32 $0x1, s15  }
0x1e: {  	[sflag:s16] =	ssyncadd.s32 @!p0 $0xFFFF9C00;
	p1 =	sne.s32 s15, $0x32  }
.Ltmp2:
0x1f: {  	p0 =	sne.s32 s17, s0;
	(pc) =	sbr.rel @p1 .LBB2_6-.Ltmp2, $4  }
0x20: {  	s17 =	simm.s32 @!p0 $0x4100;
	s16 =	simm.s32 @!p0 $0x1  }
0x21: {  	[spmem:s13] =	stream.linear.scatter @!p0 [tilespmem:s17], [sflag:$0x1], $0x6400, $0x38;
	[tilespmem:$0xCC10] =	vst v63  }
0x22: {  	_ =	swait.ge @!p0 [sflag:s16], $0x6400  }
0x23: {  	s13 =	sadd.s32 $0x6400, s13;
	[sflag:s16] =	ssyncset.done @!p0 $0x0  }
0x24: {  	s14 =	sand.u32 $0xF, s14  }
0x25: {  	p1 =	sne.s32 s14, s0  }
0x26: {  	[sflag:s16] =	ssyncadd.s32 @!p0 $0xFFFF9C00;
	s14 =	simm.s32 @!p1 $0x4100;
	s15 =	simm.s32 @!p1 $0x1  }
0x27: {  	[spmem:s13] =	stream.linear.scatter @!p1 [tilespmem:s14], [sflag:$0x1], $0x6400, $0x38;
	[tilespmem:$0xCC10] =	vst v63  }
0x28: {  	_ =	swait.ge @!p1 [sflag:s15], $0x6400  }
0x29: {  	[sflag:s15] =	ssyncset.done @!p1 $0x0  }
0x2a: {  	[sflag:s15] =	ssyncadd.s32 @!p1 $0xFFFF9C00  }
0x2b: {  	s31 =	sadd.s32 $0x0, s6;
	[bflag:$0x0] =	sbarrier.arrive $0xFFFF  }
0x2c: {  	[tilespmem:s3], [sflag:$0x1] =	stream.linear.gather [hbm4b:s31+s3], $0x80, $0x38;
	[tilespmem:$0xCC10] =	vst v63  }
0x2d: {  	_ =	swait.ge [sflag:s8], $0x80  }
0x2e: {  	[sflag:s8] =	ssyncset.done $0x0  }
0x2f: {  	[sflag:s8] =	ssyncadd.s32 $0xFFFFFF80  }
0x30: {  	[spmem:s2] =	stream.indirect.scatter.add.f32 [tilespmem:s10], [sflag:$0x1], $0x10, s3, s9, $0xb8;
	[tilespmem:$0xCC10] =	vst v63  }
0x31: {  	_ =	swait.ge [sflag:s8], $0x800  }
0x32: {  	s13 =	simm.s32 $0x10;
	s14 =	simm.s32 $0x20;
	[sflag:s8] =	ssyncset.done $0x0  }
.LBB2_8:
0x33: {  	s15 =	sadd.s32 s13, s6  }
0x34: {  	[sflag:s8] =	ssyncadd.s32 $0xFFFFF800;
	s13 =	smov.u32 s14;
	s16 =	sadd.s32 $0x10, s14  }
0x35: {  	[tilespmem:s3], [sflag:$0x1] =	stream.linear.gather [hbm4b:s15+s3], $0x80, $0x38;
	[tilespmem:$0xCC10] =	vst v63  }
0x36: {  	p0 =	sne.s32 s14, $0x4D0;
	_ =	swait.ge [sflag:s8], $0x80  }
.Ltmp3:
0x37: {  	[sflag:s8] =	ssyncset.done $0x0;
	(pc) =	sbr.rel @p0 .LBB2_8-.Ltmp3, $4  }
0x38: {  	[sflag:s8] =	ssyncadd.s32 $0xFFFFFF80  }
0x39: {  	[spmem:s2] =	stream.indirect.scatter.add.f32 [tilespmem:s10], [sflag:$0x1], $0x10, s3, s9, $0xb8;
	[tilespmem:$0xCC10] =	vst v63  }
0x3a: {  	_ =	swait.ge [sflag:s8], $0x800  }
0x3b: {  	s14 =	smov.u32 s16;
	[sflag:s8] =	ssyncset.done $0x0  }
0x3c: {  	s13 =	sadd.s32 s13, s6;
	[sflag:s8] =	ssyncadd.s32 $0xFFFFF800  }
0x3d: {  	[tilespmem:s3], [sflag:$0x1] =	stream.linear.gather [hbm4b:s13+s3], $0x80, $0x38;
	[tilespmem:$0xCC10] =	vst v63  }
0x3e: {  	_ =	swait.ge [sflag:s8], $0x80  }
0x3f: {  	[sflag:s8] =	ssyncset.done $0x0  }
0x40: {  	[sflag:s8] =	ssyncadd.s32 $0xFFFFFF80  }
0x41: {  	[spmem:s2] =	stream.indirect.scatter.add.f32 [tilespmem:s10], [sflag:$0x1], $0x10, s3, s9, $0xb8;
	[tilespmem:$0xCC10] =	vst v63  }
0x42: {  	_ =	swait.ge [sflag:s8], $0x800  }
0x43: {  	[sflag:s8] =	ssyncset.done $0x0  }
0x44: {  	s31 =	simm.s32 $0x0;
	[sflag:s8] =	ssyncadd.s32 $0xFFFFF800  }
0x45: {  	[tilespmem:s9], [sflag:$0x1] =	stream.linear.gather [hbm4b:s4+s31], $0x10, $0x38;
	[tilespmem:$0xCC10] =	vst v63  }
0x46: {  	_ =	swait.ge [sflag:s8], $0x10  }
0x47: {  	[sflag:s8] =	ssyncset.done $0x0  }
0x48: {  	[sflag:s8] =	ssyncadd.s32 $0xFFFFFFF0  }
0x49: {  	[spmem:s2] =	stream.indirect.scatter.add.f32 [tilespmem:s10], [sflag:$0x1], $0x10, s9, s11, $0xb8;
	[tilespmem:$0xCC10] =	vst v63  }
0x4a: {  	s13 =	sand.u32 $0xF, s31;
	_ =	swait.ge [sflag:s8], $0x100  }
0x4b: {  	s15 =	simm.s32 $0x1;
	p0 =	sne.s32 s13, s0;
	[sflag:s8] =	ssyncset.done $0x0  }
0x4c: {  	s13 =	sshll.u32 @!p0 s0, $0x6;
	s14 =	sshrl.u32 @!p0 s2, $0x3;
	[sflag:s8] =	ssyncadd.s32 $0xFFFFFF00  }
0x4d: {  	s16 =	simm.s32 @!p0 $0x1;
	s13 =	sor.u32 @!p0 $0x1C01, s13;
	[bflag:$0x0] =	sbarrier.arrive $0xFFFF  }
0x4e: {  	[hbm:s7], [sflag:s13] =	dma.local @!p0 [spmem:s14], $0xC80  }
0x4f: {  	s17 =	sand.u32 $0xF, s15;
	s15 =	sadd.s32 $0x6400, s2;
	_ =	swait.ge @!p0 [sflag:s16], $0xC80  }
0x50: {  	s14 =	simm.s32 $0x2;
	s13 =	sadd.s32 $0xC80, s7;
	[sflag:s16] =	ssyncset.done @!p0 $0x0  }
.LBB2_10:
0x51: {  	[sflag:s16] =	ssyncadd.s32 @!p0 $0xFFFFF380  }
0x52: {  	p0 =	sne.s32 s17, s0;
	s17 =	smov.u32 s14;
	s14 =	sadd.s32 $0x1, s14  }
0x53: {  	p1 =	sne.s32 s14, $0x32  }
.Ltmp4:
0x54: {  	s16 =	sshll.u32 @!p0 s0, $0x6;
	s18 =	sshrl.u32 @!p0 s15, $0x3;
	(pc) =	sbr.rel @p1 .LBB2_10-.Ltmp4, $4  }
0x55: {  	s19 =	sor.u32 @!p0 $0x1C01, s16;
	s16 =	simm.s32 @!p0 $0x1  }
0x56: {  	[hbm:s13], [sflag:s19] =	dma.local @!p0 [spmem:s18], $0xC80  }
0x57: {  	s13 =	sadd.s32 $0xC80, s13;
	_ =	swait.ge @!p0 [sflag:s16], $0xC80  }
0x58: {  	s17 =	sand.u32 $0xF, s17;
	s15 =	sadd.s32 $0x6400, s15;
	[sflag:s16] =	ssyncset.done @!p0 $0x0  }
0x59: {  	p1 =	sne.s32 s17, s0;
	[sflag:s16] =	ssyncadd.s32 @!p0 $0xFFFFF380;
	s12 =	sadd.s32 $0x1, s12  }
0x5a: {  	s14 =	sshll.u32 @!p1 s0, $0x6;
	s15 =	sshrl.u32 @!p1 s15, $0x3;
	p0 =	sne.s32 s12, s5  }
.Ltmp5:
0x5b: {  	s16 =	simm.s32 @!p1 $0x1;
	s14 =	sor.u32 @!p1 $0x1C01, s14;
	(pc) =	sbr.rel @p0 .LBB2_1-.Ltmp5, $4  }
0x5c: {  	[hbm:s13], [sflag:s14] =	dma.local @!p1 [spmem:s15], $0xC80  }
0x5d: {  	_ =	swait.ge @!p1 [sflag:s16], $0xC80  }
0x5e: {  	[sflag:s16] =	ssyncset.done @!p1 $0x0  }
0x5f: {  	[sflag:s16] =	ssyncadd.s32 @!p1 $0xFFFFF380  }
0x60: {  	_ =	sfence.sel $0x180000  }
0x61: {  	[bflag:$0x0] =	sbarrier.arrive $0xFFFF  }
0x62: {  	p0 =	sne.s32 s0, $0x0;
	_ =	strace $0x90000047  }
0x63: {  	s0 =	sadd.s32 @!p0 $0x100000, s1;
	[bflag:$0x2] =	sbarrier.arrive $0xFFFF  }
0x64: {  	[sflag:s0] =	ssyncadd.tile.s32 @!p0 $0x1;
	_ =	shalt  }
.Lfunc_end2:
_tile_overlayer_lowered:
.L_overlay_start_2:
0x65: {  	(tag) =	ssettag $0x2  }
0x66: {  	s0 =	rddreg [dreg:$0x0];
	s2 =	stileid.u32  }
0x67: {  	s1 =	rddreg [dreg:$0x1];
	p0 =	sne.s32 s2, $0x0  }
0x68: {  	s3 =	rddreg [dreg:$0x2];
	[bflag:$0x3] =	sbarrier.arrive $0xFFFF;
	s2 =	simm.s32 @!p0 $0x1C01  }
0x69: {  	[timem:s3], [sflag:s2] =	dma.local @!p0 [hbm:s0], s1  }
0x6a: {  	s0 =	simm.s32 @!p0 $0x1  }
0x6b: {  	_ =	swait.ge @!p0 [sflag:s0], s1  }
0x6c: {  	s1 =	ssub.s32 @!p0 $0x0, s1;
	[sflag:s0] =	ssyncset.done @!p0 $0x0  }
0x6d: {  	[sflag:s0] =	ssyncadd.s32 @!p0 s1  }
0x6e: {  	[bflag:$0x3] =	sbarrier.arrive $0xFFFF  }
0x6f: {  	_ =	shalt  }

</sc_bundles>
